<compile_context>
chip_gen: v7x
topology: tpu7x:2x2x1
jax: 0.10.2.dev20260603
libtpu: 0.0.44.dev20260713+nightly
codegen_flags: <defaults>
</compile_context>

<pallas_src>
import functools

import jax
import jax.numpy as jnp
from jax import lax
from jax.experimental import pallas as pl
from jax.experimental.pallas import tpu as pltpu
from jax.experimental.pallas import tpu_sc as plsc

B = 16384
C = 100
NC = 2
NS = 16
NW = NC * NS
ROWS = B // NW
G16 = ROWS // 16
NSTAT = 6
STW = NSTAT * ROWS

_mesh = plsc.VectorSubcoreMesh(core_axis_name="c", subcore_axis_name="s")


@functools.partial(
    pl.kernel,
    out_type=jax.ShapeDtypeStruct((NW, STW), jnp.float32),
    mesh=_mesh,
    compiler_params=pltpu.CompilerParams(needs_layout_passes=False,
                                         use_tc_tiling_on_sc=True),
    scratch_types=[
        pltpu.VMEM((C, ROWS // 2), jnp.float32),
        pltpu.VMEM((C, ROWS // 2), jnp.float32),
        pltpu.VMEM((ROWS,), jnp.int32),
        pltpu.VMEM((STW,), jnp.float32),
        pltpu.SemaphoreType.DMA,
        pltpu.SemaphoreType.DMA,
    ],
)
def _sc_stats(yhatT_hbm, yfine_hbm, out_hbm, slab0, slab1, yf_v, st_v,
              sem0, sem1):
    wid = lax.axis_index("s") * NC + lax.axis_index("c")
    base = wid * ROWS
    half = ROWS // 2
    cp0 = pltpu.async_copy(yhatT_hbm.at[:, pl.ds(base, half)], slab0, sem0)
    cp1 = pltpu.async_copy(yhatT_hbm.at[:, pl.ds(base + half, half)], slab1,
                           sem1)
    pltpu.sync_copy(yfine_hbm.at[pl.ds(base, ROWS)], yf_v)

    lane = lax.iota(jnp.int32, 16)
    zeros = jnp.zeros((16,), jnp.float32)

    def make_group_body(slab, half_off):
        def group_body(gi, _):
            off = gi * 16
            soff = half_off + off
            cols = off + lane
            yf = yf_v[pl.ds(soff, 16)]
            g5 = yf - lax.rem(yf, 5)

            U = 20
            NACC = 4

            def sum_body(j0, carry):
                zs = list(carry[:NACC])
                ws = list(carry[NACC:])
                for k in range(U):
                    v = slab[j0 + k, pl.ds(off, 16)]
                    e = jnp.exp(v)
                    a = k % NACC
                    zs[a] = zs[a] + e
                    ws[a] = ws[a] + e * v
                return tuple(zs) + tuple(ws)

            acc = lax.fori_loop(0, C // U, lambda i, c: sum_body(i * U, c),
                                (zeros,) * (2 * NACC))
            z_sum = (acc[0] + acc[1]) + (acc[2] + acc[3])
            w_sum = (acc[4] + acc[5]) + (acc[6] + acc[7])

            eg = zeros
            wg = zeros
            for k in range(5):
                v = plsc.load_gather(slab, [g5 + k, cols])
                e = jnp.exp(v)
                eg = eg + e
                wg = wg + e * v
            v_f = plsc.load_gather(slab, [yf, cols])
            e_f = jnp.exp(v_f)

            st_v[pl.ds(0 * ROWS + soff, 16)] = z_sum
            st_v[pl.ds(1 * ROWS + soff, 16)] = w_sum
            st_v[pl.ds(2 * ROWS + soff, 16)] = eg
            st_v[pl.ds(3 * ROWS + soff, 16)] = wg
            st_v[pl.ds(4 * ROWS + soff, 16)] = e_f
            st_v[pl.ds(5 * ROWS + soff, 16)] = v_f
            return 0
        return group_body

    cp0.wait()
    lax.fori_loop(0, half // 16, make_group_body(slab0, 0), 0)
    cp1.wait()
    lax.fori_loop(0, half // 16, make_group_body(slab1, half), 0)
    pltpu.sync_copy(st_v, out_hbm.at[wid])


def _final_body(st_ref, o_ref):
    s = st_ref[...]
    z_sum = s[:, 0 * ROWS:1 * ROWS]
    w_sum = s[:, 1 * ROWS:2 * ROWS]
    eg = s[:, 2 * ROWS:3 * ROWS]
    wg = s[:, 3 * ROWS:4 * ROWS]
    e_f = s[:, 4 * ROWS:5 * ROWS]
    v_f = s[:, 5 * ROWS:6 * ROWS]

    rz = 1.0 / z_sum
    re = 1.0 / eg
    yg = eg * rz
    t = e_f * re
    p = (w_sum - wg) * rz
    q = (wg - e_f * v_f) * re

    yg_ = 1.0 - yg + 1e-7
    oce = (p - (jnp.log(z_sum) + jnp.log(yg_)) * (1.0 - yg)) / yg_
    ygi_ = 1.0 - t + 1e-7
    ice = (q - (jnp.log(eg) + jnp.log(ygi_)) * (1.0 - t)) / ygi_
    loss = (jnp.sum(oce) / (B * float(C - 5))
            + jnp.sum(ice) / (B * 4.0))
    o_ref[...] = jnp.reshape(loss, (1, 1))


def kernel(yHat, y_fine, fine2coarse):
    del fine2coarse
    stats = _sc_stats(yHat.T, y_fine)
    loss = pl.pallas_call(
        _final_body,
        out_shape=jax.ShapeDtypeStruct((1, 1), jnp.float32),
    )(stats)
    return loss[0, 0]

# --- scband reference (transcript-rebuilt; emitter-appended) ---
"""Pipeline reference for scband-hce-61297773248585 (READ-ONLY COPY).

The authoritative reference and input builder live on the scoring server;
editing this copy changes nothing except your own understanding.
"""

import jax, jax.numpy as jnp
import numpy as np

FINE2COARSE = jnp.array([i // 5 for i in range(100)], dtype=jnp.int32)


def setup_inputs(seed: int = 0):
    key = jax.random.key(seed)
    k1, k2 = jax.random.split(key)
    yHat = jax.random.normal(k1, (16384, 100), dtype=jnp.float32)
    y_fine = jax.random.randint(k2, (16384,), 0, 100, dtype=jnp.int32)
    return {"yHat": yHat, "y_fine": y_fine, "fine2coarse": FINE2COARSE}


def _hce(yHat, y_fine, fine2coarse):
    B = yHat.shape[0]
    fine_classes = 100
    coarse_group = 5
    # coarse label per sample, then the 5 fine indices belonging to that coarse group
    y_coarse = fine2coarse[y_fine][:, None]  # [B, 1]
    group_mask = (fine2coarse[None, :] == y_coarse).astype(jnp.int32)  # [B, 100]
    _, y_G = jax.lax.top_k(group_mask, coarse_group)  # [B, 5] indices of the group members

    # ---- Outer Complement Entropy (over all 100 fine classes) ----
    yHat_sm = jax.nn.softmax(yHat, axis=1)
    Yg = jnp.sum(jnp.take_along_axis(yHat_sm, y_G, axis=1), axis=1)  # [B]
    Yg_ = 1.0 - Yg + 1e-07
    Px = yHat_sm / Yg_[:, None]
    Px_log = jnp.log(jnp.maximum(Px, 1e-10))
    zerohot_o = jnp.ones((B, fine_classes), dtype=yHat.dtype).at[
        jnp.arange(B)[:, None], y_G
    ].set(0.0)
    loss_oce = jnp.sum(Px * Px_log * zerohot_o)
    loss_oce = loss_oce / float(B) / float(fine_classes - coarse_group)

    # ---- Inner Complement Entropy (within the 5-way coarse group) ----
    yHat_G = jax.nn.softmax(jnp.take_along_axis(yHat, y_G, axis=1).astype(jnp.float32), axis=1)  # [B, 5]
    _, new_Yg_index = jax.lax.top_k((y_G == y_fine[:, None]).astype(jnp.int32), 1)  # [B, 1]
    Yg_i = jnp.take_along_axis(yHat_G, new_Yg_index, axis=1)  # [B, 1]
    Ygi_ = 1.0 - Yg_i + 1e-07
    Px_i = yHat_G / Ygi_
    Pxi_log = jnp.log(jnp.maximum(Px_i, 1e-10))
    zerohot_i = jnp.ones((B, coarse_group), dtype=yHat.dtype).at[
        jnp.arange(B)[:, None], new_Yg_index
    ].set(0.0)
    loss_ice = jnp.sum(Px_i * Pxi_log * zerohot_i)
    loss_ice = loss_ice / float(B) / float(coarse_group - 1)

    return loss_oce + loss_ice


def reference(yHat, y_fine, fine2coarse):
    return _hce(yHat, y_fine, fine2coarse)

if __name__ == "__main__":
    import jax
    _d = setup_inputs()
    print(jax.jit(kernel)(*tuple(_d.values())))

</pallas_src>

<mosaic_0001>
#map = affine_map<(d0, d1) -> (0, 0)>
#map1 = affine_map<(d0, d1) -> (0)>
module attributes {stable_mosaic.version = 14 : i64} {
  func.func @_sc_stats(%arg0: i32, %arg1: i32, %arg2: memref<100x16384xf32, #tpu.memory_space<hbm>>, %arg3: memref<16384xi32, #tpu.memory_space<hbm>>, %arg4: memref<32x3072xf32, #tpu.memory_space<hbm>>, %arg5: memref<100x256xf32, #tpu.memory_space<vmem>>, %arg6: memref<100x256xf32, #tpu.memory_space<vmem>>, %arg7: memref<512xi32, #tpu.memory_space<vmem>>, %arg8: memref<3072xf32, #tpu.memory_space<vmem>>, %arg9: memref<!tpu.dma_semaphore, #tpu.memory_space<semaphore_mem>>, %arg10: memref<!tpu.dma_semaphore, #tpu.memory_space<semaphore_mem>>) attributes {dimension_semantics = [#tpu.dimension_semantics<core_parallel>, #tpu.dimension_semantics<subcore_parallel>], iteration_bounds = array<i64: 2, 16>, scalar_prefetch = 0 : i64, scratch_operands = 6 : i64, tpu.core_type = #tpu.core_type<sc_vector_subcore>, window_params = [{transform_indices = #map}, {transform_indices = #map1}, {transform_indices = #map}]} {
    %mul3A = arith.constant 2 : i32
    %mul3A_0 = arith.muli %arg1, %mul3A : i32
    %add3A = arith.addi %mul3A_0, %arg0 : i32
    %mul3A_1 = arith.constant 512 : i32
    %mul3A_2 = arith.muli %add3A, %mul3A_1 : i32
    %dma_start3A = arith.constant 0 : i32
    %dma_start3A_3 = tpu.memref_slice %arg2[%dma_start3A, %mul3A_2] : memref<100x16384xf32, #tpu.memory_space<hbm>> -> memref<100x256xf32, #tpu.memory_space<hbm>>
    %dma_start3A_4 = arith.constant 0 : i32
    %dma_start3A_5 = tpu.memref_slice %arg2[%dma_start3A_4, %mul3A_2] : memref<100x16384xf32, #tpu.memory_space<hbm>> -> memref<100x256xf32, #tpu.memory_space<hbm>>
    tpu.enqueue_dma source(%dma_start3A_5 : memref<100x256xf32, #tpu.memory_space<hbm>>) target(%arg5 : memref<100x256xf32, #tpu.memory_space<vmem>>) target_semaphore(%arg9 : memref<!tpu.dma_semaphore, #tpu.memory_space<semaphore_mem>>)
    %add3A_6 = arith.constant 256 : i32
    %add3A_7 = arith.addi %mul3A_2, %add3A_6 : i32
    %dma_start3A_8 = arith.constant 0 : i32
    %dma_start3A_9 = tpu.memref_slice %arg2[%dma_start3A_8, %add3A_7] : memref<100x16384xf32, #tpu.memory_space<hbm>> -> memref<100x256xf32, #tpu.memory_space<hbm>>
    %dma_start3A_10 = arith.constant 0 : i32
    %dma_start3A_11 = tpu.memref_slice %arg2[%dma_start3A_10, %add3A_7] : memref<100x16384xf32, #tpu.memory_space<hbm>> -> memref<100x256xf32, #tpu.memory_space<hbm>>
    tpu.enqueue_dma source(%dma_start3A_11 : memref<100x256xf32, #tpu.memory_space<hbm>>) target(%arg6 : memref<100x256xf32, #tpu.memory_space<vmem>>) target_semaphore(%arg10 : memref<!tpu.dma_semaphore, #tpu.memory_space<semaphore_mem>>)
    "tpu.region"() ({
      %run_scoped3A = tpu.sem_alloc : memref<!tpu.dma_semaphore, #tpu.memory_space<semaphore_mem>>
      %dma_start3A_33 = tpu.memref_slice %arg3[%mul3A_2] : memref<16384xi32, #tpu.memory_space<hbm>> -> memref<512xi32, #tpu.memory_space<hbm>>
      %dma_start3A_34 = tpu.memref_slice %arg3[%mul3A_2] : memref<16384xi32, #tpu.memory_space<hbm>> -> memref<512xi32, #tpu.memory_space<hbm>>
      tpu.enqueue_dma source(%dma_start3A_34 : memref<512xi32, #tpu.memory_space<hbm>>) target(%arg7 : memref<512xi32, #tpu.memory_space<vmem>>) target_semaphore(%run_scoped3A : memref<!tpu.dma_semaphore, #tpu.memory_space<semaphore_mem>>)
      %dma_wait3A_35 = tpu.memref_slice %arg3[%mul3A_2] : memref<16384xi32, #tpu.memory_space<hbm>> -> memref<512xi32, #tpu.memory_space<hbm>>
      %dma_wait3A_36 = tpu.memref_slice %arg3[%mul3A_2] : memref<16384xi32, #tpu.memory_space<hbm>> -> memref<512xi32, #tpu.memory_space<hbm>>
      tpu.wait_dma2 semaphore(%run_scoped3A : memref<!tpu.dma_semaphore, #tpu.memory_space<semaphore_mem>>) src(%dma_wait3A_36 : memref<512xi32, #tpu.memory_space<hbm>>) dst(%arg7 : memref<512xi32, #tpu.memory_space<vmem>>)
      tpu.yield
    }) : () -> ()
    %iota3A = tpu.iota {dimensions = array<i32: 0>} : vector<16xi32>
    %broadcast_in_dim3A = arith.constant 0.000000e+00 : f32
    %broadcast_in_dim3A_12 = vector.broadcast %broadcast_in_dim3A : f32 to vector<16xf32>
    %dma_wait3A = arith.constant 0 : i32
    %dma_wait3A_13 = tpu.memref_slice %arg2[%dma_wait3A, %mul3A_2] : memref<100x16384xf32, #tpu.memory_space<hbm>> -> memref<100x256xf32, #tpu.memory_space<hbm>>
    %dma_wait3A_14 = arith.constant 0 : i32
    %dma_wait3A_15 = tpu.memref_slice %arg2[%dma_wait3A_14, %mul3A_2] : memref<100x16384xf32, #tpu.memory_space<hbm>> -> memref<100x256xf32, #tpu.memory_space<hbm>>
    tpu.wait_dma2 semaphore(%arg9 : memref<!tpu.dma_semaphore, #tpu.memory_space<semaphore_mem>>) src(%dma_wait3A_15 : memref<100x256xf32, #tpu.memory_space<hbm>>) dst(%arg5 : memref<100x256xf32, #tpu.memory_space<vmem>>)
    %scan3A = arith.constant 0 : i32
    %scan3A_16 = arith.constant 0 : i32
    %scan3A_17 = arith.constant 16 : i32
    %scan3A_18 = arith.addi %scan3A_16, %scan3A_17 : i32
    %scan3A_19 = arith.constant 1 : i32
    %scan3A_20 = scf.for %scan3A_33 = %scan3A_16 to %scan3A_18 step %scan3A_19 iter_args(%scan3A_34 = %scan3A) -> (i32)  : i32 {
      %mul3A_35 = arith.constant 16 : i32
      %mul3A_36 = arith.muli %scan3A_33, %mul3A_35 : i32
      %add3A_37 = arith.constant 0 : i32
      %add3A_38 = arith.addi %add3A_37, %mul3A_36 : i32
      %add3A_39 = vector.broadcast %mul3A_36 : i32 to vector<16xi32>
      %add3A_40 = arith.addi %add3A_39, %iota3A : vector<16xi32>
      %get3A = arith.index_cast %add3A_38 : i32 to index
      %get3A_41 = tpu.vector_load %arg7[%get3A] {strides = array<i32>} : memref<512xi32, #tpu.memory_space<vmem>>, vector<16xi32>,
      %rem3A = arith.constant 5 : i32
      %rem3A_42 = vector.broadcast %rem3A : i32 to vector<16xi32>
      %rem3A_43 = arith.remsi %get3A_41, %rem3A_42 : vector<16xi32>
      %sub3A = arith.subi %get3A_41, %rem3A_43 : vector<16xi32>
      %scan3A_44 = arith.constant 0 : i32
      %scan3A_45 = arith.constant 5 : i32
      %scan3A_46 = arith.addi %scan3A_44, %scan3A_45 : i32
      %scan3A_47 = arith.constant 1 : i32
      %scan3A_48:8 = scf.for %scan3A_120 = %scan3A_44 to %scan3A_46 step %scan3A_47 iter_args(%scan3A_121 = %broadcast_in_dim3A_12, %scan3A_122 = %broadcast_in_dim3A_12, %scan3A_123 = %broadcast_in_dim3A_12, %scan3A_124 = %broadcast_in_dim3A_12, %scan3A_125 = %broadcast_in_dim3A_12, %scan3A_126 = %broadcast_in_dim3A_12, %scan3A_127 = %broadcast_in_dim3A_12, %scan3A_128 = %broadcast_in_dim3A_12) -> (vector<16xf32>, vector<16xf32>, vector<16xf32>, vector<16xf32>, vector<16xf32>, vector<16xf32>, vector<16xf32>, vector<16xf32>)  : i32 {
        %mul3A_129 = arith.constant 20 : i32
        %mul3A_130 = arith.muli %scan3A_120, %mul3A_129 : i32
        %add3A_131 = arith.constant 0 : i32
        %add3A_132 = arith.addi %mul3A_130, %add3A_131 : i32
        %get3A_133 = arith.index_cast %add3A_132 : i32 to index
        %get3A_134 = arith.index_cast %mul3A_36 : i32 to index
        %get3A_135 = tpu.vector_load %arg5[%get3A_133, %get3A_134] {strides = array<i32>} : memref<100x256xf32, #tpu.memory_space<vmem>>, vector<16xf32>,
        %exp3A_136 = math.exp %get3A_135 : vector<16xf32>
        %add3A_137 = arith.addf %scan3A_121, %exp3A_136 : vector<16xf32>
        %mul3A_138 = arith.mulf %exp3A_136, %get3A_135 : vector<16xf32>
        %add3A_139 = arith.addf %scan3A_125, %mul3A_138 : vector<16xf32>
        %add3A_140 = arith.constant 1 : i32
        %add3A_141 = arith.addi %mul3A_130, %add3A_140 : i32
        %get3A_142 = arith.index_cast %add3A_141 : i32 to index
        %get3A_143 = arith.index_cast %mul3A_36 : i32 to index
        %get3A_144 = tpu.vector_load %arg5[%get3A_142, %get3A_143] {strides = array<i32>} : memref<100x256xf32, #tpu.memory_space<vmem>>, vector<16xf32>,
        %exp3A_145 = math.exp %get3A_144 : vector<16xf32>
        %add3A_146 = arith.addf %scan3A_122, %exp3A_145 : vector<16xf32>
        %mul3A_147 = arith.mulf %exp3A_145, %get3A_144 : vector<16xf32>
        %add3A_148 = arith.addf %scan3A_126, %mul3A_147 : vector<16xf32>
        %add3A_149 = arith.constant 2 : i32
        %add3A_150 = arith.addi %mul3A_130, %add3A_149 : i32
        %get3A_151 = arith.index_cast %add3A_150 : i32 to index
        %get3A_152 = arith.index_cast %mul3A_36 : i32 to index
        %get3A_153 = tpu.vector_load %arg5[%get3A_151, %get3A_152] {strides = array<i32>} : memref<100x256xf32, #tpu.memory_space<vmem>>, vector<16xf32>,
        %exp3A_154 = math.exp %get3A_153 : vector<16xf32>
        %add3A_155 = arith.addf %scan3A_123, %exp3A_154 : vector<16xf32>
        %mul3A_156 = arith.mulf %exp3A_154, %get3A_153 : vector<16xf32>
        %add3A_157 = arith.addf %scan3A_127, %mul3A_156 : vector<16xf32>
        %add3A_158 = arith.constant 3 : i32
        %add3A_159 = arith.addi %mul3A_130, %add3A_158 : i32
        %get3A_160 = arith.index_cast %add3A_159 : i32 to index
        %get3A_161 = arith.index_cast %mul3A_36 : i32 to index
        %get3A_162 = tpu.vector_load %arg5[%get3A_160, %get3A_161] {strides = array<i32>} : memref<100x256xf32, #tpu.memory_space<vmem>>, vector<16xf32>,
        %exp3A_163 = math.exp %get3A_162 : vector<16xf32>
        %add3A_164 = arith.addf %scan3A_124, %exp3A_163 : vector<16xf32>
        %mul3A_165 = arith.mulf %exp3A_163, %get3A_162 : vector<16xf32>
        %add3A_166 = arith.addf %scan3A_128, %mul3A_165 : vector<16xf32>
        %add3A_167 = arith.constant 4 : i32
        %add3A_168 = arith.addi %mul3A_130, %add3A_167 : i32
        %get3A_169 = arith.index_cast %add3A_168 : i32 to index
        %get3A_170 = arith.index_cast %mul3A_36 : i32 to index
        %get3A_171 = tpu.vector_load %arg5[%get3A_169, %get3A_170] {strides = array<i32>} : memref<100x256xf32, #tpu.memory_space<vmem>>, vector<16xf32>,
        %exp3A_172 = math.exp %get3A_171 : vector<16xf32>
        %add3A_173 = arith.addf %add3A_137, %exp3A_172 : vector<16xf32>
        %mul3A_174 = arith.mulf %exp3A_172, %get3A_171 : vector<16xf32>
        %add3A_175 = arith.addf %add3A_139, %mul3A_174 : vector<16xf32>
        %add3A_176 = arith.constant 5 : i32
        %add3A_177 = arith.addi %mul3A_130, %add3A_176 : i32
        %get3A_178 = arith.index_cast %add3A_177 : i32 to index
        %get3A_179 = arith.index_cast %mul3A_36 : i32 to index
        %get3A_180 = tpu.vector_load %arg5[%get3A_178, %get3A_179] {strides = array<i32>} : memref<100x256xf32, #tpu.memory_space<vmem>>, vector<16xf32>,
        %exp3A_181 = math.exp %get3A_180 : vector<16xf32>
        %add3A_182 = arith.addf %add3A_146, %exp3A_181 : vector<16xf32>
        %mul3A_183 = arith.mulf %exp3A_181, %get3A_180 : vector<16xf32>
        %add3A_184 = arith.addf %add3A_148, %mul3A_183 : vector<16xf32>
        %add3A_185 = arith.constant 6 : i32
        %add3A_186 = arith.addi %mul3A_130, %add3A_185 : i32
        %get3A_187 = arith.index_cast %add3A_186 : i32 to index
        %get3A_188 = arith.index_cast %mul3A_36 : i32 to index
        %get3A_189 = tpu.vector_load %arg5[%get3A_187, %get3A_188] {strides = array<i32>} : memref<100x256xf32, #tpu.memory_space<vmem>>, vector<16xf32>,
        %exp3A_190 = math.exp %get3A_189 : vector<16xf32>
        %add3A_191 = arith.addf %add3A_155, %exp3A_190 : vector<16xf32>
        %mul3A_192 = arith.mulf %exp3A_190, %get3A_189 : vector<16xf32>
        %add3A_193 = arith.addf %add3A_157, %mul3A_192 : vector<16xf32>
        %add3A_194 = arith.constant 7 : i32
        %add3A_195 = arith.addi %mul3A_130, %add3A_194 : i32
        %get3A_196 = arith.index_cast %add3A_195 : i32 to index
        %get3A_197 = arith.index_cast %mul3A_36 : i32 to index
        %get3A_198 = tpu.vector_load %arg5[%get3A_196, %get3A_197] {strides = array<i32>} : memref<100x256xf32, #tpu.memory_space<vmem>>, vector<16xf32>,
        %exp3A_199 = math.exp %get3A_198 : vector<16xf32>
        %add3A_200 = arith.addf %add3A_164, %exp3A_199 : vector<16xf32>
        %mul3A_201 = arith.mulf %exp3A_199, %get3A_198 : vector<16xf32>
        %add3A_202 = arith.addf %add3A_166, %mul3A_201 : vector<16xf32>
        %add3A_203 = arith.constant 8 : i32
        %add3A_204 = arith.addi %mul3A_130, %add3A_203 : i32
        %get3A_205 = arith.index_cast %add3A_204 : i32 to index
        %get3A_206 = arith.index_cast %mul3A_36 : i32 to index
        %get3A_207 = tpu.vector_load %arg5[%get3A_205, %get3A_206] {strides = array<i32>} : memref<100x256xf32, #tpu.memory_space<vmem>>, vector<16xf32>,
        %exp3A_208 = math.exp %get3A_207 : vector<16xf32>
        %add3A_209 = arith.addf %add3A_173, %exp3A_208 : vector<16xf32>
        %mul3A_210 = arith.mulf %exp3A_208, %get3A_207 : vector<16xf32>
        %add3A_211 = arith.addf %add3A_175, %mul3A_210 : vector<16xf32>
        %add3A_212 = arith.constant 9 : i32
        %add3A_213 = arith.addi %mul3A_130, %add3A_212 : i32
        %get3A_214 = arith.index_cast %add3A_213 : i32 to index
        %get3A_215 = arith.index_cast %mul3A_36 : i32 to index
        %get3A_216 = tpu.vector_load %arg5[%get3A_214, %get3A_215] {strides = array<i32>} : memref<100x256xf32, #tpu.memory_space<vmem>>, vector<16xf32>,
        %exp3A_217 = math.exp %get3A_216 : vector<16xf32>
        %add3A_218 = arith.addf %add3A_182, %exp3A_217 : vector<16xf32>
        %mul3A_219 = arith.mulf %exp3A_217, %get3A_216 : vector<16xf32>
        %add3A_220 = arith.addf %add3A_184, %mul3A_219 : vector<16xf32>
        %add3A_221 = arith.constant 10 : i32
        %add3A_222 = arith.addi %mul3A_130, %add3A_221 : i32
        %get3A_223 = arith.index_cast %add3A_222 : i32 to index
        %get3A_224 = arith.index_cast %mul3A_36 : i32 to index
        %get3A_225 = tpu.vector_load %arg5[%get3A_223, %get3A_224] {strides = array<i32>} : memref<100x256xf32, #tpu.memory_space<vmem>>, vector<16xf32>,
        %exp3A_226 = math.exp %get3A_225 : vector<16xf32>
        %add3A_227 = arith.addf %add3A_191, %exp3A_226 : vector<16xf32>
        %mul3A_228 = arith.mulf %exp3A_226, %get3A_225 : vector<16xf32>
        %add3A_229 = arith.addf %add3A_193, %mul3A_228 : vector<16xf32>
        %add3A_230 = arith.constant 11 : i32
        %add3A_231 = arith.addi %mul3A_130, %add3A_230 : i32
        %get3A_232 = arith.index_cast %add3A_231 : i32 to index
        %get3A_233 = arith.index_cast %mul3A_36 : i32 to index
        %get3A_234 = tpu.vector_load %arg5[%get3A_232, %get3A_233] {strides = array<i32>} : memref<100x256xf32, #tpu.memory_space<vmem>>, vector<16xf32>,
        %exp3A_235 = math.exp %get3A_234 : vector<16xf32>
        %add3A_236 = arith.addf %add3A_200, %exp3A_235 : vector<16xf32>
        %mul3A_237 = arith.mulf %exp3A_235, %get3A_234 : vector<16xf32>
        %add3A_238 = arith.addf %add3A_202, %mul3A_237 : vector<16xf32>
        %add3A_239 = arith.constant 12 : i32
        %add3A_240 = arith.addi %mul3A_130, %add3A_239 : i32
        %get3A_241 = arith.index_cast %add3A_240 : i32 to index
        %get3A_242 = arith.index_cast %mul3A_36 : i32 to index
        %get3A_243 = tpu.vector_load %arg5[%get3A_241, %get3A_242] {strides = array<i32>} : memref<100x256xf32, #tpu.memory_space<vmem>>, vector<16xf32>,
        %exp3A_244 = math.exp %get3A_243 : vector<16xf32>
        %add3A_245 = arith.addf %add3A_209, %exp3A_244 : vector<16xf32>
        %mul3A_246 = arith.mulf %exp3A_244, %get3A_243 : vector<16xf32>
        %add3A_247 = arith.addf %add3A_211, %mul3A_246 : vector<16xf32>
        %add3A_248 = arith.constant 13 : i32
        %add3A_249 = arith.addi %mul3A_130, %add3A_248 : i32
        %get3A_250 = arith.index_cast %add3A_249 : i32 to index
        %get3A_251 = arith.index_cast %mul3A_36 : i32 to index
        %get3A_252 = tpu.vector_load %arg5[%get3A_250, %get3A_251] {strides = array<i32>} : memref<100x256xf32, #tpu.memory_space<vmem>>, vector<16xf32>,
        %exp3A_253 = math.exp %get3A_252 : vector<16xf32>
        %add3A_254 = arith.addf %add3A_218, %exp3A_253 : vector<16xf32>
        %mul3A_255 = arith.mulf %exp3A_253, %get3A_252 : vector<16xf32>
        %add3A_256 = arith.addf %add3A_220, %mul3A_255 : vector<16xf32>
        %add3A_257 = arith.constant 14 : i32
        %add3A_258 = arith.addi %mul3A_130, %add3A_257 : i32
        %get3A_259 = arith.index_cast %add3A_258 : i32 to index
        %get3A_260 = arith.index_cast %mul3A_36 : i32 to index
        %get3A_261 = tpu.vector_load %arg5[%get3A_259, %get3A_260] {strides = array<i32>} : memref<100x256xf32, #tpu.memory_space<vmem>>, vector<16xf32>,
        %exp3A_262 = math.exp %get3A_261 : vector<16xf32>
        %add3A_263 = arith.addf %add3A_227, %exp3A_262 : vector<16xf32>
        %mul3A_264 = arith.mulf %exp3A_262, %get3A_261 : vector<16xf32>
        %add3A_265 = arith.addf %add3A_229, %mul3A_264 : vector<16xf32>
        %add3A_266 = arith.constant 15 : i32
        %add3A_267 = arith.addi %mul3A_130, %add3A_266 : i32
        %get3A_268 = arith.index_cast %add3A_267 : i32 to index
        %get3A_269 = arith.index_cast %mul3A_36 : i32 to index
        %get3A_270 = tpu.vector_load %arg5[%get3A_268, %get3A_269] {strides = array<i32>} : memref<100x256xf32, #tpu.memory_space<vmem>>, vector<16xf32>,
        %exp3A_271 = math.exp %get3A_270 : vector<16xf32>
        %add3A_272 = arith.addf %add3A_236, %exp3A_271 : vector<16xf32>
        %mul3A_273 = arith.mulf %exp3A_271, %get3A_270 : vector<16xf32>
        %add3A_274 = arith.addf %add3A_238, %mul3A_273 : vector<16xf32>
        %add3A_275 = arith.constant 16 : i32
        %add3A_276 = arith.addi %mul3A_130, %add3A_275 : i32
        %get3A_277 = arith.index_cast %add3A_276 : i32 to index
        %get3A_278 = arith.index_cast %mul3A_36 : i32 to index
        %get3A_279 = tpu.vector_load %arg5[%get3A_277, %get3A_278] {strides = array<i32>} : memref<100x256xf32, #tpu.memory_space<vmem>>, vector<16xf32>,
        %exp3A_280 = math.exp %get3A_279 : vector<16xf32>
        %add3A_281 = arith.addf %add3A_245, %exp3A_280 : vector<16xf32>
        %mul3A_282 = arith.mulf %exp3A_280, %get3A_279 : vector<16xf32>
        %add3A_283 = arith.addf %add3A_247, %mul3A_282 : vector<16xf32>
        %add3A_284 = arith.constant 17 : i32
        %add3A_285 = arith.addi %mul3A_130, %add3A_284 : i32
        %get3A_286 = arith.index_cast %add3A_285 : i32 to index
        %get3A_287 = arith.index_cast %mul3A_36 : i32 to index
        %get3A_288 = tpu.vector_load %arg5[%get3A_286, %get3A_287] {strides = array<i32>} : memref<100x256xf32, #tpu.memory_space<vmem>>, vector<16xf32>,
        %exp3A_289 = math.exp %get3A_288 : vector<16xf32>
        %add3A_290 = arith.addf %add3A_254, %exp3A_289 : vector<16xf32>
        %mul3A_291 = arith.mulf %exp3A_289, %get3A_288 : vector<16xf32>
        %add3A_292 = arith.addf %add3A_256, %mul3A_291 : vector<16xf32>
        %add3A_293 = arith.constant 18 : i32
        %add3A_294 = arith.addi %mul3A_130, %add3A_293 : i32
        %get3A_295 = arith.index_cast %add3A_294 : i32 to index
        %get3A_296 = arith.index_cast %mul3A_36 : i32 to index
        %get3A_297 = tpu.vector_load %arg5[%get3A_295, %get3A_296] {strides = array<i32>} : memref<100x256xf32, #tpu.memory_space<vmem>>, vector<16xf32>,
        %exp3A_298 = math.exp %get3A_297 : vector<16xf32>
        %add3A_299 = arith.addf %add3A_263, %exp3A_298 : vector<16xf32>
        %mul3A_300 = arith.mulf %exp3A_298, %get3A_297 : vector<16xf32>
        %add3A_301 = arith.addf %add3A_265, %mul3A_300 : vector<16xf32>
        %add3A_302 = arith.constant 19 : i32
        %add3A_303 = arith.addi %mul3A_130, %add3A_302 : i32
        %get3A_304 = arith.index_cast %add3A_303 : i32 to index
        %get3A_305 = arith.index_cast %mul3A_36 : i32 to index
        %get3A_306 = tpu.vector_load %arg5[%get3A_304, %get3A_305] {strides = array<i32>} : memref<100x256xf32, #tpu.memory_space<vmem>>, vector<16xf32>,
        %exp3A_307 = math.exp %get3A_306 : vector<16xf32>
        %add3A_308 = arith.addf %add3A_272, %exp3A_307 : vector<16xf32>
        %mul3A_309 = arith.mulf %exp3A_307, %get3A_306 : vector<16xf32>
        %add3A_310 = arith.addf %add3A_274, %mul3A_309 : vector<16xf32>
        scf.yield %add3A_281, %add3A_290, %add3A_299, %add3A_308, %add3A_283, %add3A_292, %add3A_301, %add3A_310 : vector<16xf32>, vector<16xf32>, vector<16xf32>, vector<16xf32>, vector<16xf32>, vector<16xf32>, vector<16xf32>, vector<16xf32>
      }
      %scan3A_49 = arith.constant 5 : i32
      %add3A_50 = arith.addf %scan3A_48#0, %scan3A_48#1 : vector<16xf32>
      %add3A_51 = arith.addf %scan3A_48#2, %scan3A_48#3 : vector<16xf32>
      %add3A_52 = arith.addf %add3A_50, %add3A_51 : vector<16xf32>
      %add3A_53 = arith.addf %scan3A_48#4, %scan3A_48#5 : vector<16xf32>
      %add3A_54 = arith.addf %scan3A_48#6, %scan3A_48#7 : vector<16xf32>
      %add3A_55 = arith.addf %add3A_53, %add3A_54 : vector<16xf32>
      %add3A_56 = arith.constant 0 : i32
      %add3A_57 = vector.broadcast %add3A_56 : i32 to vector<16xi32>
      %add3A_58 = arith.addi %sub3A, %add3A_57 : vector<16xi32>
      %gather3A = tpu.vector_load_idx %arg5[%add3A_58, %add3A_40] : memref<100x256xf32, #tpu.memory_space<vmem>>[vector<16xi32>, vector<16xi32>], vector<16xf32>,
      %exp3A = math.exp %gather3A : vector<16xf32>
      %add3A_59 = arith.addf %broadcast_in_dim3A_12, %exp3A : vector<16xf32>
      %mul3A_60 = arith.mulf %exp3A, %gather3A : vector<16xf32>
      %add3A_61 = arith.addf %broadcast_in_dim3A_12, %mul3A_60 : vector<16xf32>
      %add3A_62 = arith.constant 1 : i32
      %add3A_63 = vector.broadcast %add3A_62 : i32 to vector<16xi32>
      %add3A_64 = arith.addi %sub3A, %add3A_63 : vector<16xi32>
      %gather3A_65 = tpu.vector_load_idx %arg5[%add3A_64, %add3A_40] : memref<100x256xf32, #tpu.memory_space<vmem>>[vector<16xi32>, vector<16xi32>], vector<16xf32>,
      %exp3A_66 = math.exp %gather3A_65 : vector<16xf32>
      %add3A_67 = arith.addf %add3A_59, %exp3A_66 : vector<16xf32>
      %mul3A_68 = arith.mulf %exp3A_66, %gather3A_65 : vector<16xf32>
      %add3A_69 = arith.addf %add3A_61, %mul3A_68 : vector<16xf32>
      %add3A_70 = arith.constant 2 : i32
      %add3A_71 = vector.broadcast %add3A_70 : i32 to vector<16xi32>
      %add3A_72 = arith.addi %sub3A, %add3A_71 : vector<16xi32>
      %gather3A_73 = tpu.vector_load_idx %arg5[%add3A_72, %add3A_40] : memref<100x256xf32, #tpu.memory_space<vmem>>[vector<16xi32>, vector<16xi32>], vector<16xf32>,
      %exp3A_74 = math.exp %gather3A_73 : vector<16xf32>
      %add3A_75 = arith.addf %add3A_67, %exp3A_74 : vector<16xf32>
      %mul3A_76 = arith.mulf %exp3A_74, %gather3A_73 : vector<16xf32>
      %add3A_77 = arith.addf %add3A_69, %mul3A_76 : vector<16xf32>
      %add3A_78 = arith.constant 3 : i32
      %add3A_79 = vector.broadcast %add3A_78 : i32 to vector<16xi32>
      %add3A_80 = arith.addi %sub3A, %add3A_79 : vector<16xi32>
      %gather3A_81 = tpu.vector_load_idx %arg5[%add3A_80, %add3A_40] : memref<100x256xf32, #tpu.memory_space<vmem>>[vector<16xi32>, vector<16xi32>], vector<16xf32>,
      %exp3A_82 = math.exp %gather3A_81 : vector<16xf32>
      %add3A_83 = arith.addf %add3A_75, %exp3A_82 : vector<16xf32>
      %mul3A_84 = arith.mulf %exp3A_82, %gather3A_81 : vector<16xf32>
      %add3A_85 = arith.addf %add3A_77, %mul3A_84 : vector<16xf32>
      %add3A_86 = arith.constant 4 : i32
      %add3A_87 = vector.broadcast %add3A_86 : i32 to vector<16xi32>
      %add3A_88 = arith.addi %sub3A, %add3A_87 : vector<16xi32>
      %gather3A_89 = tpu.vector_load_idx %arg5[%add3A_88, %add3A_40] : memref<100x256xf32, #tpu.memory_space<vmem>>[vector<16xi32>, vector<16xi32>], vector<16xf32>,
      %exp3A_90 = math.exp %gather3A_89 : vector<16xf32>
      %add3A_91 = arith.addf %add3A_83, %exp3A_90 : vector<16xf32>
      %mul3A_92 = arith.mulf %exp3A_90, %gather3A_89 : vector<16xf32>
      %add3A_93 = arith.addf %add3A_85, %mul3A_92 : vector<16xf32>
      %gather3A_94 = tpu.vector_load_idx %arg5[%get3A_41, %add3A_40] : memref<100x256xf32, #tpu.memory_space<vmem>>[vector<16xi32>, vector<16xi32>], vector<16xf32>,
      %exp3A_95 = math.exp %gather3A_94 : vector<16xf32>
      %add3A_96 = arith.constant 0 : i32
      %add3A_97 = arith.addi %add3A_96, %add3A_38 : i32
      %swap3A = arith.index_cast %add3A_97 : i32 to index
      %swap3A_98 = tpu.vector_load %arg8[%swap3A] {strides = array<i32>} : memref<3072xf32, #tpu.memory_space<vmem>>, vector<16xf32>,
      tpu.vector_store %arg8[%swap3A], %add3A_52 {strides = array<i32>} : memref<3072xf32, #tpu.memory_space<vmem>>, vector<16xf32>,
      %add3A_99 = arith.constant 512 : i32
      %add3A_100 = arith.addi %add3A_99, %add3A_38 : i32
      %swap3A_101 = arith.index_cast %add3A_100 : i32 to index
      %swap3A_102 = tpu.vector_load %arg8[%swap3A_101] {strides = array<i32>} : memref<3072xf32, #tpu.memory_space<vmem>>, vector<16xf32>,
      tpu.vector_store %arg8[%swap3A_101], %add3A_55 {strides = array<i32>} : memref<3072xf32, #tpu.memory_space<vmem>>, vector<16xf32>,
      %add3A_103 = arith.constant 1024 : i32
      %add3A_104 = arith.addi %add3A_103, %add3A_38 : i32
      %swap3A_105 = arith.index_cast %add3A_104 : i32 to index
      %swap3A_106 = tpu.vector_load %arg8[%swap3A_105] {strides = array<i32>} : memref<3072xf32, #tpu.memory_space<vmem>>, vector<16xf32>,
      tpu.vector_store %arg8[%swap3A_105], %add3A_91 {strides = array<i32>} : memref<3072xf32, #tpu.memory_space<vmem>>, vector<16xf32>,
      %add3A_107 = arith.constant 1536 : i32
      %add3A_108 = arith.addi %add3A_107, %add3A_38 : i32
      %swap3A_109 = arith.index_cast %add3A_108 : i32 to index
      %swap3A_110 = tpu.vector_load %arg8[%swap3A_109] {strides = array<i32>} : memref<3072xf32, #tpu.memory_space<vmem>>, vector<16xf32>,
      tpu.vector_store %arg8[%swap3A_109], %add3A_93 {strides = array<i32>} : memref<3072xf32, #tpu.memory_space<vmem>>, vector<16xf32>,
      %add3A_111 = arith.constant 2048 : i32
      %add3A_112 = arith.addi %add3A_111, %add3A_38 : i32
      %swap3A_113 = arith.index_cast %add3A_112 : i32 to index
      %swap3A_114 = tpu.vector_load %arg8[%swap3A_113] {strides = array<i32>} : memref<3072xf32, #tpu.memory_space<vmem>>, vector<16xf32>,
      tpu.vector_store %arg8[%swap3A_113], %exp3A_95 {strides = array<i32>} : memref<3072xf32, #tpu.memory_space<vmem>>, vector<16xf32>,
      %add3A_115 = arith.constant 2560 : i32
      %add3A_116 = arith.addi %add3A_115, %add3A_38 : i32
      %swap3A_117 = arith.index_cast %add3A_116 : i32 to index
      %swap3A_118 = tpu.vector_load %arg8[%swap3A_117] {strides = array<i32>} : memref<3072xf32, #tpu.memory_space<vmem>>, vector<16xf32>,
      tpu.vector_store %arg8[%swap3A_117], %gather3A_94 {strides = array<i32>} : memref<3072xf32, #tpu.memory_space<vmem>>, vector<16xf32>,
      %scan3A_119 = arith.constant 0 : i32
      scf.yield %scan3A_119 : i32
    }
    %scan3A_21 = arith.constant 16 : i32
    %dma_wait3A_22 = arith.constant 0 : i32
    %dma_wait3A_23 = tpu.memref_slice %arg2[%dma_wait3A_22, %add3A_7] : memref<100x16384xf32, #tpu.memory_space<hbm>> -> memref<100x256xf32, #tpu.memory_space<hbm>>
    %dma_wait3A_24 = arith.constant 0 : i32
    %dma_wait3A_25 = tpu.memref_slice %arg2[%dma_wait3A_24, %add3A_7] : memref<100x16384xf32, #tpu.memory_space<hbm>> -> memref<100x256xf32, #tpu.memory_space<hbm>>
    tpu.wait_dma2 semaphore(%arg10 : memref<!tpu.dma_semaphore, #tpu.memory_space<semaphore_mem>>) src(%dma_wait3A_25 : memref<100x256xf32, #tpu.memory_space<hbm>>) dst(%arg6 : memref<100x256xf32, #tpu.memory_space<vmem>>)
    %scan3A_26 = arith.constant 0 : i32
    %scan3A_27 = arith.constant 0 : i32
    %scan3A_28 = arith.constant 16 : i32
    %scan3A_29 = arith.addi %scan3A_27, %scan3A_28 : i32
    %scan3A_30 = arith.constant 1 : i32
    %scan3A_31 = scf.for %scan3A_33 = %scan3A_27 to %scan3A_29 step %scan3A_30 iter_args(%scan3A_34 = %scan3A_26) -> (i32)  : i32 {
      %mul3A_35 = arith.constant 16 : i32
      %mul3A_36 = arith.muli %scan3A_33, %mul3A_35 : i32
      %add3A_37 = arith.constant 256 : i32
      %add3A_38 = arith.addi %add3A_37, %mul3A_36 : i32
      %add3A_39 = vector.broadcast %mul3A_36 : i32 to vector<16xi32>
      %add3A_40 = arith.addi %add3A_39, %iota3A : vector<16xi32>
      %get3A = arith.index_cast %add3A_38 : i32 to index
      %get3A_41 = tpu.vector_load %arg7[%get3A] {strides = array<i32>} : memref<512xi32, #tpu.memory_space<vmem>>, vector<16xi32>,
      %rem3A = arith.constant 5 : i32
      %rem3A_42 = vector.broadcast %rem3A : i32 to vector<16xi32>
      %rem3A_43 = arith.remsi %get3A_41, %rem3A_42 : vector<16xi32>
      %sub3A = arith.subi %get3A_41, %rem3A_43 : vector<16xi32>
      %scan3A_44 = arith.constant 0 : i32
      %scan3A_45 = arith.constant 5 : i32
      %scan3A_46 = arith.addi %scan3A_44, %scan3A_45 : i32
      %scan3A_47 = arith.constant 1 : i32
      %scan3A_48:8 = scf.for %scan3A_120 = %scan3A_44 to %scan3A_46 step %scan3A_47 iter_args(%scan3A_121 = %broadcast_in_dim3A_12, %scan3A_122 = %broadcast_in_dim3A_12, %scan3A_123 = %broadcast_in_dim3A_12, %scan3A_124 = %broadcast_in_dim3A_12, %scan3A_125 = %broadcast_in_dim3A_12, %scan3A_126 = %broadcast_in_dim3A_12, %scan3A_127 = %broadcast_in_dim3A_12, %scan3A_128 = %broadcast_in_dim3A_12) -> (vector<16xf32>, vector<16xf32>, vector<16xf32>, vector<16xf32>, vector<16xf32>, vector<16xf32>, vector<16xf32>, vector<16xf32>)  : i32 {
        %mul3A_129 = arith.constant 20 : i32
        %mul3A_130 = arith.muli %scan3A_120, %mul3A_129 : i32
        %add3A_131 = arith.constant 0 : i32
        %add3A_132 = arith.addi %mul3A_130, %add3A_131 : i32
        %get3A_133 = arith.index_cast %add3A_132 : i32 to index
        %get3A_134 = arith.index_cast %mul3A_36 : i32 to index
        %get3A_135 = tpu.vector_load %arg6[%get3A_133, %get3A_134] {strides = array<i32>} : memref<100x256xf32, #tpu.memory_space<vmem>>, vector<16xf32>,
        %exp3A_136 = math.exp %get3A_135 : vector<16xf32>
        %add3A_137 = arith.addf %scan3A_121, %exp3A_136 : vector<16xf32>
        %mul3A_138 = arith.mulf %exp3A_136, %get3A_135 : vector<16xf32>
        %add3A_139 = arith.addf %scan3A_125, %mul3A_138 : vector<16xf32>
        %add3A_140 = arith.constant 1 : i32
        %add3A_141 = arith.addi %mul3A_130, %add3A_140 : i32
        %get3A_142 = arith.index_cast %add3A_141 : i32 to index
        %get3A_143 = arith.index_cast %mul3A_36 : i32 to index
        %get3A_144 = tpu.vector_load %arg6[%get3A_142, %get3A_143] {strides = array<i32>} : memref<100x256xf32, #tpu.memory_space<vmem>>, vector<16xf32>,
        %exp3A_145 = math.exp %get3A_144 : vector<16xf32>
        %add3A_146 = arith.addf %scan3A_122, %exp3A_145 : vector<16xf32>
        %mul3A_147 = arith.mulf %exp3A_145, %get3A_144 : vector<16xf32>
        %add3A_148 = arith.addf %scan3A_126, %mul3A_147 : vector<16xf32>
        %add3A_149 = arith.constant 2 : i32
        %add3A_150 = arith.addi %mul3A_130, %add3A_149 : i32
        %get3A_151 = arith.index_cast %add3A_150 : i32 to index
        %get3A_152 = arith.index_cast %mul3A_36 : i32 to index
        %get3A_153 = tpu.vector_load %arg6[%get3A_151, %get3A_152] {strides = array<i32>} : memref<100x256xf32, #tpu.memory_space<vmem>>, vector<16xf32>,
        %exp3A_154 = math.exp %get3A_153 : vector<16xf32>
        %add3A_155 = arith.addf %scan3A_123, %exp3A_154 : vector<16xf32>
        %mul3A_156 = arith.mulf %exp3A_154, %get3A_153 : vector<16xf32>
        %add3A_157 = arith.addf %scan3A_127, %mul3A_156 : vector<16xf32>
        %add3A_158 = arith.constant 3 : i32
        %add3A_159 = arith.addi %mul3A_130, %add3A_158 : i32
        %get3A_160 = arith.index_cast %add3A_159 : i32 to index
        %get3A_161 = arith.index_cast %mul3A_36 : i32 to index
        %get3A_162 = tpu.vector_load %arg6[%get3A_160, %get3A_161] {strides = array<i32>} : memref<100x256xf32, #tpu.memory_space<vmem>>, vector<16xf32>,
        %exp3A_163 = math.exp %get3A_162 : vector<16xf32>
        %add3A_164 = arith.addf %scan3A_124, %exp3A_163 : vector<16xf32>
        %mul3A_165 = arith.mulf %exp3A_163, %get3A_162 : vector<16xf32>
        %add3A_166 = arith.addf %scan3A_128, %mul3A_165 : vector<16xf32>
        %add3A_167 = arith.constant 4 : i32
        %add3A_168 = arith.addi %mul3A_130, %add3A_167 : i32
        %get3A_169 = arith.index_cast %add3A_168 : i32 to index
        %get3A_170 = arith.index_cast %mul3A_36 : i32 to index
        %get3A_171 = tpu.vector_load %arg6[%get3A_169, %get3A_170] {strides = array<i32>} : memref<100x256xf32, #tpu.memory_space<vmem>>, vector<16xf32>,
        %exp3A_172 = math.exp %get3A_171 : vector<16xf32>
        %add3A_173 = arith.addf %add3A_137, %exp3A_172 : vector<16xf32>
        %mul3A_174 = arith.mulf %exp3A_172, %get3A_171 : vector<16xf32>
        %add3A_175 = arith.addf %add3A_139, %mul3A_174 : vector<16xf32>
        %add3A_176 = arith.constant 5 : i32
        %add3A_177 = arith.addi %mul3A_130, %add3A_176 : i32
        %get3A_178 = arith.index_cast %add3A_177 : i32 to index
        %get3A_179 = arith.index_cast %mul3A_36 : i32 to index
        %get3A_180 = tpu.vector_load %arg6[%get3A_178, %get3A_179] {strides = array<i32>} : memref<100x256xf32, #tpu.memory_space<vmem>>, vector<16xf32>,
        %exp3A_181 = math.exp %get3A_180 : vector<16xf32>
        %add3A_182 = arith.addf %add3A_146, %exp3A_181 : vector<16xf32>
        %mul3A_183 = arith.mulf %exp3A_181, %get3A_180 : vector<16xf32>
        %add3A_184 = arith.addf %add3A_148, %mul3A_183 : vector<16xf32>
        %add3A_185 = arith.constant 6 : i32
        %add3A_186 = arith.addi %mul3A_130, %add3A_185 : i32
        %get3A_187 = arith.index_cast %add3A_186 : i32 to index
        %get3A_188 = arith.index_cast %mul3A_36 : i32 to index
        %get3A_189 = tpu.vector_load %arg6[%get3A_187, %get3A_188] {strides = array<i32>} : memref<100x256xf32, #tpu.memory_space<vmem>>, vector<16xf32>,
        %exp3A_190 = math.exp %get3A_189 : vector<16xf32>
        %add3A_191 = arith.addf %add3A_155, %exp3A_190 : vector<16xf32>
        %mul3A_192 = arith.mulf %exp3A_190, %get3A_189 : vector<16xf32>
        %add3A_193 = arith.addf %add3A_157, %mul3A_192 : vector<16xf32>
        %add3A_194 = arith.constant 7 : i32
        %add3A_195 = arith.addi %mul3A_130, %add3A_194 : i32
        %get3A_196 = arith.index_cast %add3A_195 : i32 to index
        %get3A_197 = arith.index_cast %mul3A_36 : i32 to index
        %get3A_198 = tpu.vector_load %arg6[%get3A_196, %get3A_197] {strides = array<i32>} : memref<100x256xf32, #tpu.memory_space<vmem>>, vector<16xf32>,
        %exp3A_199 = math.exp %get3A_198 : vector<16xf32>
        %add3A_200 = arith.addf %add3A_164, %exp3A_199 : vector<16xf32>
        %mul3A_201 = arith.mulf %exp3A_199, %get3A_198 : vector<16xf32>
        %add3A_202 = arith.addf %add3A_166, %mul3A_201 : vector<16xf32>
        %add3A_203 = arith.constant 8 : i32
        %add3A_204 = arith.addi %mul3A_130, %add3A_203 : i32
        %get3A_205 = arith.index_cast %add3A_204 : i32 to index
        %get3A_206 = arith.index_cast %mul3A_36 : i32 to index
        %get3A_207 = tpu.vector_load %arg6[%get3A_205, %get3A_206] {strides = array<i32>} : memref<100x256xf32, #tpu.memory_space<vmem>>, vector<16xf32>,
        %exp3A_208 = math.exp %get3A_207 : vector<16xf32>
        %add3A_209 = arith.addf %add3A_173, %exp3A_208 : vector<16xf32>
        %mul3A_210 = arith.mulf %exp3A_208, %get3A_207 : vector<16xf32>
        %add3A_211 = arith.addf %add3A_175, %mul3A_210 : vector<16xf32>
        %add3A_212 = arith.constant 9 : i32
        %add3A_213 = arith.addi %mul3A_130, %add3A_212 : i32
        %get3A_214 = arith.index_cast %add3A_213 : i32 to index
        %get3A_215 = arith.index_cast %mul3A_36 : i32 to index
        %get3A_216 = tpu.vector_load %arg6[%get3A_214, %get3A_215] {strides = array<i32>} : memref<100x256xf32, #tpu.memory_space<vmem>>, vector<16xf32>,
        %exp3A_217 = math.exp %get3A_216 : vector<16xf32>
        %add3A_218 = arith.addf %add3A_182, %exp3A_217 : vector<16xf32>
        %mul3A_219 = arith.mulf %exp3A_217, %get3A_216 : vector<16xf32>
        %add3A_220 = arith.addf %add3A_184, %mul3A_219 : vector<16xf32>
        %add3A_221 = arith.constant 10 : i32
        %add3A_222 = arith.addi %mul3A_130, %add3A_221 : i32
        %get3A_223 = arith.index_cast %add3A_222 : i32 to index
        %get3A_224 = arith.index_cast %mul3A_36 : i32 to index
        %get3A_225 = tpu.vector_load %arg6[%get3A_223, %get3A_224] {strides = array<i32>} : memref<100x256xf32, #tpu.memory_space<vmem>>, vector<16xf32>,
        %exp3A_226 = math.exp %get3A_225 : vector<16xf32>
        %add3A_227 = arith.addf %add3A_191, %exp3A_226 : vector<16xf32>
        %mul3A_228 = arith.mulf %exp3A_226, %get3A_225 : vector<16xf32>
        %add3A_229 = arith.addf %add3A_193, %mul3A_228 : vector<16xf32>
        %add3A_230 = arith.constant 11 : i32
        %add3A_231 = arith.addi %mul3A_130, %add3A_230 : i32
        %get3A_232 = arith.index_cast %add3A_231 : i32 to index
        %get3A_233 = arith.index_cast %mul3A_36 : i32 to index
        %get3A_234 = tpu.vector_load %arg6[%get3A_232, %get3A_233] {strides = array<i32>} : memref<100x256xf32, #tpu.memory_space<vmem>>, vector<16xf32>,
        %exp3A_235 = math.exp %get3A_234 : vector<16xf32>
        %add3A_236 = arith.addf %add3A_200, %exp3A_235 : vector<16xf32>
        %mul3A_237 = arith.mulf %exp3A_235, %get3A_234 : vector<16xf32>
        %add3A_238 = arith.addf %add3A_202, %mul3A_237 : vector<16xf32>
        %add3A_239 = arith.constant 12 : i32
        %add3A_240 = arith.addi %mul3A_130, %add3A_239 : i32
        %get3A_241 = arith.index_cast %add3A_240 : i32 to index
        %get3A_242 = arith.index_cast %mul3A_36 : i32 to index
        %get3A_243 = tpu.vector_load %arg6[%get3A_241, %get3A_242] {strides = array<i32>} : memref<100x256xf32, #tpu.memory_space<vmem>>, vector<16xf32>,
        %exp3A_244 = math.exp %get3A_243 : vector<16xf32>
        %add3A_245 = arith.addf %add3A_209, %exp3A_244 : vector<16xf32>
        %mul3A_246 = arith.mulf %exp3A_244, %get3A_243 : vector<16xf32>
        %add3A_247 = arith.addf %add3A_211, %mul3A_246 : vector<16xf32>
        %add3A_248 = arith.constant 13 : i32
        %add3A_249 = arith.addi %mul3A_130, %add3A_248 : i32
        %get3A_250 = arith.index_cast %add3A_249 : i32 to index
        %get3A_251 = arith.index_cast %mul3A_36 : i32 to index
        %get3A_252 = tpu.vector_load %arg6[%get3A_250, %get3A_251] {strides = array<i32>} : memref<100x256xf32, #tpu.memory_space<vmem>>, vector<16xf32>,
        %exp3A_253 = math.exp %get3A_252 : vector<16xf32>
        %add3A_254 = arith.addf %add3A_218, %exp3A_253 : vector<16xf32>
        %mul3A_255 = arith.mulf %exp3A_253, %get3A_252 : vector<16xf32>
        %add3A_256 = arith.addf %add3A_220, %mul3A_255 : vector<16xf32>
        %add3A_257 = arith.constant 14 : i32
        %add3A_258 = arith.addi %mul3A_130, %add3A_257 : i32
        %get3A_259 = arith.index_cast %add3A_258 : i32 to index
        %get3A_260 = arith.index_cast %mul3A_36 : i32 to index
        %get3A_261 = tpu.vector_load %arg6[%get3A_259, %get3A_260] {strides = array<i32>} : memref<100x256xf32, #tpu.memory_space<vmem>>, vector<16xf32>,
        %exp3A_262 = math.exp %get3A_261 : vector<16xf32>
        %add3A_263 = arith.addf %add3A_227, %exp3A_262 : vector<16xf32>
        %mul3A_264 = arith.mulf %exp3A_262, %get3A_261 : vector<16xf32>
        %add3A_265 = arith.addf %add3A_229, %mul3A_264 : vector<16xf32>
        %add3A_266 = arith.constant 15 : i32
        %add3A_267 = arith.addi %mul3A_130, %add3A_266 : i32
        %get3A_268 = arith.index_cast %add3A_267 : i32 to index
        %get3A_269 = arith.index_cast %mul3A_36 : i32 to index
        %get3A_270 = tpu.vector_load %arg6[%get3A_268, %get3A_269] {strides = array<i32>} : memref<100x256xf32, #tpu.memory_space<vmem>>, vector<16xf32>,
        %exp3A_271 = math.exp %get3A_270 : vector<16xf32>
        %add3A_272 = arith.addf %add3A_236, %exp3A_271 : vector<16xf32>
        %mul3A_273 = arith.mulf %exp3A_271, %get3A_270 : vector<16xf32>
        %add3A_274 = arith.addf %add3A_238, %mul3A_273 : vector<16xf32>
        %add3A_275 = arith.constant 16 : i32
        %add3A_276 = arith.addi %mul3A_130, %add3A_275 : i32
        %get3A_277 = arith.index_cast %add3A_276 : i32 to index
        %get3A_278 = arith.index_cast %mul3A_36 : i32 to index
        %get3A_279 = tpu.vector_load %arg6[%get3A_277, %get3A_278] {strides = array<i32>} : memref<100x256xf32, #tpu.memory_space<vmem>>, vector<16xf32>,
        %exp3A_280 = math.exp %get3A_279 : vector<16xf32>
        %add3A_281 = arith.addf %add3A_245, %exp3A_280 : vector<16xf32>
        %mul3A_282 = arith.mulf %exp3A_280, %get3A_279 : vector<16xf32>
        %add3A_283 = arith.addf %add3A_247, %mul3A_282 : vector<16xf32>
        %add3A_284 = arith.constant 17 : i32
        %add3A_285 = arith.addi %mul3A_130, %add3A_284 : i32
        %get3A_286 = arith.index_cast %add3A_285 : i32 to index
        %get3A_287 = arith.index_cast %mul3A_36 : i32 to index
        %get3A_288 = tpu.vector_load %arg6[%get3A_286, %get3A_287] {strides = array<i32>} : memref<100x256xf32, #tpu.memory_space<vmem>>, vector<16xf32>,
        %exp3A_289 = math.exp %get3A_288 : vector<16xf32>
        %add3A_290 = arith.addf %add3A_254, %exp3A_289 : vector<16xf32>
        %mul3A_291 = arith.mulf %exp3A_289, %get3A_288 : vector<16xf32>
        %add3A_292 = arith.addf %add3A_256, %mul3A_291 : vector<16xf32>
        %add3A_293 = arith.constant 18 : i32
        %add3A_294 = arith.addi %mul3A_130, %add3A_293 : i32
        %get3A_295 = arith.index_cast %add3A_294 : i32 to index
        %get3A_296 = arith.index_cast %mul3A_36 : i32 to index
        %get3A_297 = tpu.vector_load %arg6[%get3A_295, %get3A_296] {strides = array<i32>} : memref<100x256xf32, #tpu.memory_space<vmem>>, vector<16xf32>,
        %exp3A_298 = math.exp %get3A_297 : vector<16xf32>
        %add3A_299 = arith.addf %add3A_263, %exp3A_298 : vector<16xf32>
        %mul3A_300 = arith.mulf %exp3A_298, %get3A_297 : vector<16xf32>
        %add3A_301 = arith.addf %add3A_265, %mul3A_300 : vector<16xf32>
        %add3A_302 = arith.constant 19 : i32
        %add3A_303 = arith.addi %mul3A_130, %add3A_302 : i32
        %get3A_304 = arith.index_cast %add3A_303 : i32 to index
        %get3A_305 = arith.index_cast %mul3A_36 : i32 to index
        %get3A_306 = tpu.vector_load %arg6[%get3A_304, %get3A_305] {strides = array<i32>} : memref<100x256xf32, #tpu.memory_space<vmem>>, vector<16xf32>,
        %exp3A_307 = math.exp %get3A_306 : vector<16xf32>
        %add3A_308 = arith.addf %add3A_272, %exp3A_307 : vector<16xf32>
        %mul3A_309 = arith.mulf %exp3A_307, %get3A_306 : vector<16xf32>
        %add3A_310 = arith.addf %add3A_274, %mul3A_309 : vector<16xf32>
        scf.yield %add3A_281, %add3A_290, %add3A_299, %add3A_308, %add3A_283, %add3A_292, %add3A_301, %add3A_310 : vector<16xf32>, vector<16xf32>, vector<16xf32>, vector<16xf32>, vector<16xf32>, vector<16xf32>, vector<16xf32>, vector<16xf32>
      }
      %scan3A_49 = arith.constant 5 : i32
      %add3A_50 = arith.addf %scan3A_48#0, %scan3A_48#1 : vector<16xf32>
      %add3A_51 = arith.addf %scan3A_48#2, %scan3A_48#3 : vector<16xf32>
      %add3A_52 = arith.addf %add3A_50, %add3A_51 : vector<16xf32>
      %add3A_53 = arith.addf %scan3A_48#4, %scan3A_48#5 : vector<16xf32>
      %add3A_54 = arith.addf %scan3A_48#6, %scan3A_48#7 : vector<16xf32>
      %add3A_55 = arith.addf %add3A_53, %add3A_54 : vector<16xf32>
      %add3A_56 = arith.constant 0 : i32
      %add3A_57 = vector.broadcast %add3A_56 : i32 to vector<16xi32>
      %add3A_58 = arith.addi %sub3A, %add3A_57 : vector<16xi32>
      %gather3A = tpu.vector_load_idx %arg6[%add3A_58, %add3A_40] : memref<100x256xf32, #tpu.memory_space<vmem>>[vector<16xi32>, vector<16xi32>], vector<16xf32>,
      %exp3A = math.exp %gather3A : vector<16xf32>
      %add3A_59 = arith.addf %broadcast_in_dim3A_12, %exp3A : vector<16xf32>
      %mul3A_60 = arith.mulf %exp3A, %gather3A : vector<16xf32>
      %add3A_61 = arith.addf %broadcast_in_dim3A_12, %mul3A_60 : vector<16xf32>
      %add3A_62 = arith.constant 1 : i32
      %add3A_63 = vector.broadcast %add3A_62 : i32 to vector<16xi32>
      %add3A_64 = arith.addi %sub3A, %add3A_63 : vector<16xi32>
      %gather3A_65 = tpu.vector_load_idx %arg6[%add3A_64, %add3A_40] : memref<100x256xf32, #tpu.memory_space<vmem>>[vector<16xi32>, vector<16xi32>], vector<16xf32>,
      %exp3A_66 = math.exp %gather3A_65 : vector<16xf32>
      %add3A_67 = arith.addf %add3A_59, %exp3A_66 : vector<16xf32>
      %mul3A_68 = arith.mulf %exp3A_66, %gather3A_65 : vector<16xf32>
      %add3A_69 = arith.addf %add3A_61, %mul3A_68 : vector<16xf32>
      %add3A_70 = arith.constant 2 : i32
      %add3A_71 = vector.broadcast %add3A_70 : i32 to vector<16xi32>
      %add3A_72 = arith.addi %sub3A, %add3A_71 : vector<16xi32>
      %gather3A_73 = tpu.vector_load_idx %arg6[%add3A_72, %add3A_40] : memref<100x256xf32, #tpu.memory_space<vmem>>[vector<16xi32>, vector<16xi32>], vector<16xf32>,
      %exp3A_74 = math.exp %gather3A_73 : vector<16xf32>
      %add3A_75 = arith.addf %add3A_67, %exp3A_74 : vector<16xf32>
      %mul3A_76 = arith.mulf %exp3A_74, %gather3A_73 : vector<16xf32>
      %add3A_77 = arith.addf %add3A_69, %mul3A_76 : vector<16xf32>
      %add3A_78 = arith.constant 3 : i32
      %add3A_79 = vector.broadcast %add3A_78 : i32 to vector<16xi32>
      %add3A_80 = arith.addi %sub3A, %add3A_79 : vector<16xi32>
      %gather3A_81 = tpu.vector_load_idx %arg6[%add3A_80, %add3A_40] : memref<100x256xf32, #tpu.memory_space<vmem>>[vector<16xi32>, vector<16xi32>], vector<16xf32>,
      %exp3A_82 = math.exp %gather3A_81 : vector<16xf32>
      %add3A_83 = arith.addf %add3A_75, %exp3A_82 : vector<16xf32>
      %mul3A_84 = arith.mulf %exp3A_82, %gather3A_81 : vector<16xf32>
      %add3A_85 = arith.addf %add3A_77, %mul3A_84 : vector<16xf32>
      %add3A_86 = arith.constant 4 : i32
      %add3A_87 = vector.broadcast %add3A_86 : i32 to vector<16xi32>
      %add3A_88 = arith.addi %sub3A, %add3A_87 : vector<16xi32>
      %gather3A_89 = tpu.vector_load_idx %arg6[%add3A_88, %add3A_40] : memref<100x256xf32, #tpu.memory_space<vmem>>[vector<16xi32>, vector<16xi32>], vector<16xf32>,
      %exp3A_90 = math.exp %gather3A_89 : vector<16xf32>
      %add3A_91 = arith.addf %add3A_83, %exp3A_90 : vector<16xf32>
      %mul3A_92 = arith.mulf %exp3A_90, %gather3A_89 : vector<16xf32>
      %add3A_93 = arith.addf %add3A_85, %mul3A_92 : vector<16xf32>
      %gather3A_94 = tpu.vector_load_idx %arg6[%get3A_41, %add3A_40] : memref<100x256xf32, #tpu.memory_space<vmem>>[vector<16xi32>, vector<16xi32>], vector<16xf32>,
      %exp3A_95 = math.exp %gather3A_94 : vector<16xf32>
      %add3A_96 = arith.constant 0 : i32
      %add3A_97 = arith.addi %add3A_96, %add3A_38 : i32
      %swap3A = arith.index_cast %add3A_97 : i32 to index
      %swap3A_98 = tpu.vector_load %arg8[%swap3A] {strides = array<i32>} : memref<3072xf32, #tpu.memory_space<vmem>>, vector<16xf32>,
      tpu.vector_store %arg8[%swap3A], %add3A_52 {strides = array<i32>} : memref<3072xf32, #tpu.memory_space<vmem>>, vector<16xf32>,
      %add3A_99 = arith.constant 512 : i32
      %add3A_100 = arith.addi %add3A_99, %add3A_38 : i32
      %swap3A_101 = arith.index_cast %add3A_100 : i32 to index
      %swap3A_102 = tpu.vector_load %arg8[%swap3A_101] {strides = array<i32>} : memref<3072xf32, #tpu.memory_space<vmem>>, vector<16xf32>,
      tpu.vector_store %arg8[%swap3A_101], %add3A_55 {strides = array<i32>} : memref<3072xf32, #tpu.memory_space<vmem>>, vector<16xf32>,
      %add3A_103 = arith.constant 1024 : i32
      %add3A_104 = arith.addi %add3A_103, %add3A_38 : i32
      %swap3A_105 = arith.index_cast %add3A_104 : i32 to index
      %swap3A_106 = tpu.vector_load %arg8[%swap3A_105] {strides = array<i32>} : memref<3072xf32, #tpu.memory_space<vmem>>, vector<16xf32>,
      tpu.vector_store %arg8[%swap3A_105], %add3A_91 {strides = array<i32>} : memref<3072xf32, #tpu.memory_space<vmem>>, vector<16xf32>,
      %add3A_107 = arith.constant 1536 : i32
      %add3A_108 = arith.addi %add3A_107, %add3A_38 : i32
      %swap3A_109 = arith.index_cast %add3A_108 : i32 to index
      %swap3A_110 = tpu.vector_load %arg8[%swap3A_109] {strides = array<i32>} : memref<3072xf32, #tpu.memory_space<vmem>>, vector<16xf32>,
      tpu.vector_store %arg8[%swap3A_109], %add3A_93 {strides = array<i32>} : memref<3072xf32, #tpu.memory_space<vmem>>, vector<16xf32>,
      %add3A_111 = arith.constant 2048 : i32
      %add3A_112 = arith.addi %add3A_111, %add3A_38 : i32
      %swap3A_113 = arith.index_cast %add3A_112 : i32 to index
      %swap3A_114 = tpu.vector_load %arg8[%swap3A_113] {strides = array<i32>} : memref<3072xf32, #tpu.memory_space<vmem>>, vector<16xf32>,
      tpu.vector_store %arg8[%swap3A_113], %exp3A_95 {strides = array<i32>} : memref<3072xf32, #tpu.memory_space<vmem>>, vector<16xf32>,
      %add3A_115 = arith.constant 2560 : i32
      %add3A_116 = arith.addi %add3A_115, %add3A_38 : i32
      %swap3A_117 = arith.index_cast %add3A_116 : i32 to index
      %swap3A_118 = tpu.vector_load %arg8[%swap3A_117] {strides = array<i32>} : memref<3072xf32, #tpu.memory_space<vmem>>, vector<16xf32>,
      tpu.vector_store %arg8[%swap3A_117], %gather3A_94 {strides = array<i32>} : memref<3072xf32, #tpu.memory_space<vmem>>, vector<16xf32>,
      %scan3A_119 = arith.constant 0 : i32
      scf.yield %scan3A_119 : i32
    }
    %scan3A_32 = arith.constant 16 : i32
    "tpu.region"() ({
      %run_scoped3A = tpu.sem_alloc : memref<!tpu.dma_semaphore, #tpu.memory_space<semaphore_mem>>
      %dma_start3A_33 = arith.constant 0 : i32
      %dma_start3A_34 = tpu.memref_slice %arg4[%add3A, %dma_start3A_33] : memref<32x3072xf32, #tpu.memory_space<hbm>> -> memref<1x3072xf32, #tpu.memory_space<hbm>>
      %dma_start3A_35 = tpu.memref_squeeze %dma_start3A_34 : memref<1x3072xf32, #tpu.memory_space<hbm>> -> memref<3072xf32, #tpu.memory_space<hbm>>
      %dma_start3A_36 = arith.constant 0 : i32
      %dma_start3A_37 = tpu.memref_slice %arg4[%add3A, %dma_start3A_36] : memref<32x3072xf32, #tpu.memory_space<hbm>> -> memref<1x3072xf32, #tpu.memory_space<hbm>>
      %dma_start3A_38 = tpu.memref_squeeze %dma_start3A_37 : memref<1x3072xf32, #tpu.memory_space<hbm>> -> memref<3072xf32, #tpu.memory_space<hbm>>
      tpu.enqueue_dma source(%arg8 : memref<3072xf32, #tpu.memory_space<vmem>>) target(%dma_start3A_38 : memref<3072xf32, #tpu.memory_space<hbm>>) target_semaphore(%run_scoped3A : memref<!tpu.dma_semaphore, #tpu.memory_space<semaphore_mem>>)
      %dma_wait3A_39 = arith.constant 0 : i32
      %dma_wait3A_40 = tpu.memref_slice %arg4[%add3A, %dma_wait3A_39] : memref<32x3072xf32, #tpu.memory_space<hbm>> -> memref<1x3072xf32, #tpu.memory_space<hbm>>
      %dma_wait3A_41 = tpu.memref_squeeze %dma_wait3A_40 : memref<1x3072xf32, #tpu.memory_space<hbm>> -> memref<3072xf32, #tpu.memory_space<hbm>>
      %dma_wait3A_42 = arith.constant 0 : i32
      %dma_wait3A_43 = tpu.memref_slice %arg4[%add3A, %dma_wait3A_42] : memref<32x3072xf32, #tpu.memory_space<hbm>> -> memref<1x3072xf32, #tpu.memory_space<hbm>>
      %dma_wait3A_44 = tpu.memref_squeeze %dma_wait3A_43 : memref<1x3072xf32, #tpu.memory_space<hbm>> -> memref<3072xf32, #tpu.memory_space<hbm>>
      tpu.wait_dma2 semaphore(%run_scoped3A : memref<!tpu.dma_semaphore, #tpu.memory_space<semaphore_mem>>) src(%arg8 : memref<3072xf32, #tpu.memory_space<vmem>>) dst(%dma_wait3A_44 : memref<3072xf32, #tpu.memory_space<hbm>>)
      tpu.yield
    }) : () -> ()
    return
  }
}

module attributes {stable_mosaic.version = 14 : i64} {
  func.func @_final_body(%arg0: memref<32x3072xf32, #tpu.memory_space<vmem>>, %arg1: memref<1x1xf32, #tpu.memory_space<vmem>>) attributes {dimension_semantics = [], scalar_prefetch = 0 : i64, scratch_operands = 0 : i64, tpu.core_type = #tpu.core_type<tc>} {
    %get3A = arith.constant 0 : index
    %get3A_0 = arith.constant 0 : index
    %get3A_1 = vector.load %arg0[%get3A, %get3A_0] : memref<32x3072xf32, #tpu.memory_space<vmem>>, vector<32x3072xf32>
    %slice3A = vector.extract_strided_slice %get3A_1 {offsets = [0, 0], sizes = [32, 512], strides = [1, 1]} : vector<32x3072xf32> to vector<32x512xf32>
    %slice3A_2 = vector.extract_strided_slice %get3A_1 {offsets = [0, 512], sizes = [32, 512], strides = [1, 1]} : vector<32x3072xf32> to vector<32x512xf32>
    %slice3A_3 = vector.extract_strided_slice %get3A_1 {offsets = [0, 1024], sizes = [32, 512], strides = [1, 1]} : vector<32x3072xf32> to vector<32x512xf32>
    %slice3A_4 = vector.extract_strided_slice %get3A_1 {offsets = [0, 1536], sizes = [32, 512], strides = [1, 1]} : vector<32x3072xf32> to vector<32x512xf32>
    %slice3A_5 = vector.extract_strided_slice %get3A_1 {offsets = [0, 2048], sizes = [32, 512], strides = [1, 1]} : vector<32x3072xf32> to vector<32x512xf32>
    %slice3A_6 = vector.extract_strided_slice %get3A_1 {offsets = [0, 2560], sizes = [32, 512], strides = [1, 1]} : vector<32x3072xf32> to vector<32x512xf32>
    %div3A = arith.constant 1.000000e+00 : f32
    %div3A_7 = vector.broadcast %div3A : f32 to vector<32x512xf32>
    %div3A_8 = arith.divf %div3A_7, %slice3A : vector<32x512xf32>
    %div3A_9 = arith.constant 1.000000e+00 : f32
    %div3A_10 = vector.broadcast %div3A_9 : f32 to vector<32x512xf32>
    %div3A_11 = arith.divf %div3A_10, %slice3A_3 : vector<32x512xf32>
    %mul3A = arith.mulf %slice3A_3, %div3A_8 : vector<32x512xf32>
    %mul3A_12 = arith.mulf %slice3A_5, %div3A_11 : vector<32x512xf32>
    %sub3A = arith.subf %slice3A_2, %slice3A_4 : vector<32x512xf32>
    %mul3A_13 = arith.mulf %sub3A, %div3A_8 : vector<32x512xf32>
    %mul3A_14 = arith.mulf %slice3A_5, %slice3A_6 : vector<32x512xf32>
    %sub3A_15 = arith.subf %slice3A_4, %mul3A_14 : vector<32x512xf32>
    %mul3A_16 = arith.mulf %sub3A_15, %div3A_11 : vector<32x512xf32>
    %sub3A_17 = arith.constant 1.000000e+00 : f32
    %sub3A_18 = vector.broadcast %sub3A_17 : f32 to vector<32x512xf32>
    %sub3A_19 = arith.subf %sub3A_18, %mul3A : vector<32x512xf32>
    %add3A = arith.constant 1.000000e-07 : f32
    %add3A_20 = vector.broadcast %add3A : f32 to vector<32x512xf32>
    %add3A_21 = arith.addf %sub3A_19, %add3A_20 : vector<32x512xf32>
    %log3A = math.log %slice3A : vector<32x512xf32>
    %log3A_22 = math.log %add3A_21 : vector<32x512xf32>
    %add3A_23 = arith.addf %log3A, %log3A_22 : vector<32x512xf32>
    %sub3A_24 = arith.constant 1.000000e+00 : f32
    %sub3A_25 = vector.broadcast %sub3A_24 : f32 to vector<32x512xf32>
    %sub3A_26 = arith.subf %sub3A_25, %mul3A : vector<32x512xf32>
    %mul3A_27 = arith.mulf %add3A_23, %sub3A_26 : vector<32x512xf32>
    %sub3A_28 = arith.subf %mul3A_13, %mul3A_27 : vector<32x512xf32>
    %div3A_29 = arith.divf %sub3A_28, %add3A_21 : vector<32x512xf32>
    %sub3A_30 = arith.constant 1.000000e+00 : f32
    %sub3A_31 = vector.broadcast %sub3A_30 : f32 to vector<32x512xf32>
    %sub3A_32 = arith.subf %sub3A_31, %mul3A_12 : vector<32x512xf32>
    %add3A_33 = arith.constant 1.000000e-07 : f32
    %add3A_34 = vector.broadcast %add3A_33 : f32 to vector<32x512xf32>
    %add3A_35 = arith.addf %sub3A_32, %add3A_34 : vector<32x512xf32>
    %log3A_36 = math.log %slice3A_3 : vector<32x512xf32>
    %log3A_37 = math.log %add3A_35 : vector<32x512xf32>
    %add3A_38 = arith.addf %log3A_36, %log3A_37 : vector<32x512xf32>
    %sub3A_39 = arith.constant 1.000000e+00 : f32
    %sub3A_40 = vector.broadcast %sub3A_39 : f32 to vector<32x512xf32>
    %sub3A_41 = arith.subf %sub3A_40, %mul3A_12 : vector<32x512xf32>
    %mul3A_42 = arith.mulf %add3A_38, %sub3A_41 : vector<32x512xf32>
    %sub3A_43 = arith.subf %mul3A_16, %mul3A_42 : vector<32x512xf32>
    %div3A_44 = arith.divf %sub3A_43, %add3A_35 : vector<32x512xf32>
    %reduce_sum3A = vector.shape_cast %div3A_29 : vector<32x512xf32> to vector<1x32x512xf32>
    %reduce_sum3A_45 = arith.constant dense<0.000000e+00> : vector<1xf32>
    %reduce_sum3A_46 = vector.multi_reduction <add>, %reduce_sum3A, %reduce_sum3A_45 [1, 2] : vector<1x32x512xf32> to vector<1xf32>
    %reduce_sum3A_47 = vector.shape_cast %reduce_sum3A_46 : vector<1xf32> to vector<1x1x1xf32>
    %reduce_sum3A_48 = vector.extract %reduce_sum3A_47[0, 0, 0] : f32 from vector<1x1x1xf32>
    %div3A_49 = arith.constant 1.556480e+06 : f32
    %div3A_50 = arith.divf %reduce_sum3A_48, %div3A_49 : f32
    %reduce_sum3A_51 = vector.shape_cast %div3A_44 : vector<32x512xf32> to vector<1x32x512xf32>
    %reduce_sum3A_52 = arith.constant dense<0.000000e+00> : vector<1xf32>
    %reduce_sum3A_53 = vector.multi_reduction <add>, %reduce_sum3A_51, %reduce_sum3A_52 [1, 2] : vector<1x32x512xf32> to vector<1xf32>
    %reduce_sum3A_54 = vector.shape_cast %reduce_sum3A_53 : vector<1xf32> to vector<1x1x1xf32>
    %reduce_sum3A_55 = vector.extract %reduce_sum3A_54[0, 0, 0] : f32 from vector<1x1x1xf32>
    %div3A_56 = arith.constant 6.553600e+04 : f32
    %div3A_57 = arith.divf %reduce_sum3A_55, %div3A_56 : f32
    %add3A_58 = arith.addf %div3A_50, %div3A_57 : f32
    %reshape3A = vector.broadcast %add3A_58 : f32 to vector<1x1xf32>
    %swap3A = arith.constant 0 : index
    %swap3A_59 = arith.constant 0 : index
    %swap3A_60 = vector.load %arg1[%swap3A, %swap3A_59] : memref<1x1xf32, #tpu.memory_space<vmem>>, vector<1x1xf32>
    tpu.vector_store %arg1[%swap3A, %swap3A_59], %reshape3A {strides = array<i32>} : memref<1x1xf32, #tpu.memory_space<vmem>>, vector<1x1xf32>,
    return
  }
}

</mosaic_0001>

<sc_bundles>
// kernel: kernel.4.cloned.1.call-start
scs
__scs_entry_jumppad:
0x0: {  	(pc) =	sbr.rel $0x88, $3  }
0x1: {  	(tag) =	ssettag $0x0;
	lr =	simm.s32 $0x1  }
0x2: {  	[smem:$0x3F9F] =	sst lr;
	_ =	strace $0xD0000000  }
0x3: {  	_ = 	snop  }
0x4: {  	_ = 	snop  }
0x5: {  	_ = 	snop  }
0x6: {  	_ = 	snop  }
0x7: {  	_ = 	snop  }
__scs_overlays_trampoline_lowered:
0x8: {  	[smem:$0x3FAE] =	sst s0  }
0x9: {  	[smem:$0x3FAF] =	sst s1  }
0xa: {  	[smem:$0x3FB0] =	sst s2  }
0xb: {  	[smem:$0x3FB1] =	sst s3  }
0xc: {  	[smem:$0x3FB2] =	sst s4  }
0xd: {  	[smem:$0x3FB3] =	sst s5  }
0xe: {  	[smem:$0x3FB4] =	sst s6  }
0xf: {  	[smem:$0x3FB5] =	sst s7  }
0x10: {  	[smem:$0x3FB6] =	sst s8  }
0x11: {  	[smem:$0x3FB7] =	sst s9;
	s0 =	simm.s32 @!p0 $0x0  }
0x12: {  	s1 =	sld [smem:$0x3F9D];
	s0 =	simm.s32 @p0 $0x1  }
0x13: {  	[smem:$0x3FB8] =	sst s0;
	s0 =	simm.s32 @!p1 $0x0  }
0x14: {  	s2 =	sld [smem:$0x3F9C];
	s0 =	simm.s32 @p1 $0x1  }
0x15: {  	[smem:$0x3FB9] =	sst s0;
	s0 =	simm.s32 @!p2 $0x0  }
0x16: {  	s3 =	sld [smem:$0x3FDB];
	s0 =	simm.s32 @p2 $0x1  }
0x17: {  	s4 =	simm.s32 $0x1BF5;
	[smem:$0x3FBB] =	sst s0  }
0x18: {  	s0 =	sld [smem:$0x3F9E];
	_ =	swait.ge [sflag:s4], $0x0  }
0x19: {  	s7 =	sld [smem:$0x3F9F]  }
0x1a: {  	s8 =	sadd.s32 $0xFFFFE003, lr  }
0x1b: {  	s9 =	sadd.s32 $0xFFFFFEF7, lr;
	s5 =	simm.s32 $0xFFFFFFFF;
	p2 =	slt.u32 s8, $0xFFFFF086  }
0x1c: {  	p1 =	slt.u32 s9, $0xF7A;
	s5 =	simm.s32 @!p2 $0x0  }
0x1d: {  	s5 =	simm.s32 @p1 $0x1;
	p0 =	seq.s32 s7, s2  }
0x1e: {  	s7 =	smul.u32 @!p0 $0xF7A, s2;
	p2 =	seq.s32 @!p0 s5, $0x0  }
0x1f: {  	s9 =	smul.u32 $0xF7A, s1;
	s8 =	simm.s32 @!p0 $0x1BF5;
	p2 =	por !p2, p0  }
0x20: {  	[sflag:s8] =	ssyncset.s32 @!p0 $0xFFFFF086;
	s6 =	sadd.s32 @!p0 s3, s7;
	s7 =	simm.s32 @!p0 $0x108  }
0x21: {  	s3 =	sadd.s32 s3, s9;
	s6 =	sadd.s32 @!p0 $0x88, s6;
	s7 =	simm.s32 @p2 $0x1082  }
0x22: {  	[simem:s7], [sflag:s8] =	dma.local @!p0 [hbm:s6], $0xF7A  }
0x23: {  	s9 =	sor.u32 $0xD0000000, s2;
	s6 =	simm.s32 $0x108;
	_ =	swait.ge @!p0 [sflag:s8], $0x0  }
0x24: {  	s3 =	sadd.s32 $0x88, s3;
	s6 =	simm.s32 @!p1 $0x1082;
	[sflag:s4] =	ssyncset.s32 $0xFFFFF086  }
0x25: {  	[simem:s6], [sflag:s4] =	dma.local [hbm:s3], $0xF7A  }
0x26: {  	[smem:$0x3F9F] =	sst s1;
	(tag) =	ssettag s2;
	_ =	strace s9  }
0x27: {  	s1 =	sld [smem:$0x3FAF]  }
0x28: {  	s2 =	sld [smem:$0x3FB0]  }
0x29: {  	s4 =	sld [smem:$0x3FB2]  }
0x2a: {  	p0 =	seq.s32 s5, $0x0;
	s5 =	sld [smem:$0x3FB3]  }
0x2b: {  	s6 =	sld [smem:$0x3FB4]  }
0x2c: {  	s7 =	sld [smem:$0x3FB5]  }
0x2d: {  	s3 =	simm.s32 $0x108;
	s8 =	sld [smem:$0x3FB6]  }
0x2e: {  	s3 =	simm.s32 @!p0 $0x1082;
	s9 =	sld [smem:$0x3FB7]  }
0x2f: {  	lr =	sadd.s32 s0, s3;
	s0 =	sld [smem:$0x3FAE]  }
0x30: {  	s3 =	sld [smem:$0x3FB1]  }
0x31: {  	[smem:$0x3FBA] =	sst s10  }
0x32: {  	s10 =	sld [smem:$0x3FB8];
	_ =	sdelay $0x3  }
0x33: {  	p0 =	seq.s32 s10, $0x1;
	s10 =	sld [smem:$0x3FBA];
	_ =	sdelay $0x3  }
0x34: {  	[smem:$0x3FBA] =	sst s10  }
0x35: {  	s10 =	sld [smem:$0x3FB9];
	_ =	sdelay $0x3  }
0x36: {  	p1 =	seq.s32 s10, $0x1;
	s10 =	sld [smem:$0x3FBA];
	_ =	sdelay $0x3  }
0x37: {  	[smem:$0x3FBA] =	sst s10  }
0x38: {  	s10 =	sld [smem:$0x3FBB]  }
0x39: {  	_ = 	snop;
	(pc) =	sbr.ind lr, $3  }
0x3a: {  	_ = 	snop  }
0x3b: {  	_ = 	snop  }
0x3c: {  	p2 =	seq.s32 s10, $0x1;
	s10 =	sld [smem:$0x3FBA]  }
0x3d: {  	_ =	shalt  }
0x3e: {  	_ =	shalt  }
0x3f: {  	_ =	shalt  }
0x40: {  	_ =	shalt  }
0x41: {  	_ =	shalt  }
0x42: {  	_ =	shalt  }
0x43: {  	_ =	shalt  }
0x44: {  	_ =	shalt  }
0x45: {  	_ =	shalt  }
0x46: {  	_ =	shalt  }
0x47: {  	_ =	shalt  }
0x48: {  	_ =	shalt  }
0x49: {  	_ =	shalt  }
0x4a: {  	_ =	shalt  }
0x4b: {  	_ =	shalt  }
0x4c: {  	_ =	shalt  }
0x4d: {  	_ =	shalt  }
0x4e: {  	_ =	shalt  }
0x4f: {  	_ =	shalt  }
0x50: {  	_ =	shalt  }
0x51: {  	_ =	shalt  }
0x52: {  	_ =	shalt  }
0x53: {  	_ =	shalt  }
0x54: {  	_ =	shalt  }
0x55: {  	_ =	shalt  }
0x56: {  	_ =	shalt  }
0x57: {  	_ =	shalt  }
0x58: {  	_ =	shalt  }
0x59: {  	_ =	shalt  }
0x5a: {  	_ =	shalt  }
0x5b: {  	_ =	shalt  }
0x5c: {  	_ =	shalt  }
0x5d: {  	_ =	shalt  }
0x5e: {  	_ =	shalt  }
0x5f: {  	_ =	shalt  }
0x60: {  	_ =	shalt  }
0x61: {  	_ =	shalt  }
0x62: {  	_ =	shalt  }
0x63: {  	_ =	shalt  }
0x64: {  	_ =	shalt  }
0x65: {  	_ =	shalt  }
0x66: {  	_ =	shalt  }
0x67: {  	_ =	shalt  }
0x68: {  	_ =	shalt  }
0x69: {  	_ =	shalt  }
0x6a: {  	_ =	shalt  }
0x6b: {  	_ =	shalt  }
0x6c: {  	_ =	shalt  }
0x6d: {  	_ =	shalt  }
0x6e: {  	_ =	shalt  }
0x6f: {  	_ =	shalt  }
0x70: {  	_ =	shalt  }
0x71: {  	_ =	shalt  }
0x72: {  	_ =	shalt  }
0x73: {  	_ =	shalt  }
0x74: {  	_ =	shalt  }
0x75: {  	_ =	shalt  }
0x76: {  	_ =	shalt  }
0x77: {  	_ =	shalt  }
0x78: {  	_ =	shalt  }
0x79: {  	_ =	shalt  }
0x7a: {  	_ =	shalt  }
0x7b: {  	_ =	shalt  }
0x7c: {  	_ =	shalt  }
0x7d: {  	_ =	shalt  }
0x7e: {  	_ =	shalt  }
0x7f: {  	_ =	shalt  }
0x80: {  	_ =	shalt  }
0x81: {  	_ =	shalt  }
0x82: {  	_ =	shalt  }
0x83: {  	_ =	shalt  }
0x84: {  	_ =	shalt  }
0x85: {  	_ =	shalt  }
0x86: {  	_ =	shalt  }
0x87: {  	_ =	shalt  }
.Lfunc_end0:
.L_simem_size_0:
called_computation_lowered:
.L_overlay_start_0:
0x88: {  	s2 =	sld [smem:$0x3FD9]  }
0x89: {  	s3 =	sld [smem:$0x3FFE];
	_ =	sdelay $0x1  }
0x8a: {  	s1 =	srdreg.scid  }
0x8b: {  	s0 =	sand.u32 $0x1, s1  }
0x8c: {  	s17 =	sshll.u32 s0, $0xA;
	s2 =	sadd.s32 s3, s2  }
0x8d: {  	s2 =	sadd.s32 s2, s17  }
0x8e: {  	[smem:$0x3FC6] =	sst s2  }
0x8f: {  	_ = 	snop  }
0x90: {  	s2 =	sld [smem:$0x3FC9]  }
0x91: {  	s18 =	sld [smem:$0x3FC8];
	(tm) =	ssettm $0x1  }
0x92: {  	s4 =	sld [smem:$0x3FFB];
	_ =	sdelay $0x3  }
0x93: {  	_ =	strace s4  }
0x94: {  	s4 =	sld [smem:$0x3FFC];
	_ =	sdelay $0x3  }
0x95: {  	_ =	strace s4  }
0x96: {  	s4 =	sld [smem:$0x3FFD];
	_ =	sdelay $0x3  }
0x97: {  	_ =	strace s4  }
0x98: {  	_ =	strace $0x8FFFFFFF  }
0x99: {  	s19 =	sld [smem:$0x3FDB];
	_ =	sdelay $0x1  }
0x9a: {  	s5 =	simm.s32 $_scs_section_size  }
0x9b: {  	s6 =	simm.s32 $_size__tile_overlayer_lowered;
	s7 =	simm.s32 $_tile_overlayer_lowered  }
0x9c: {  	s22 =	simm.s32 $0x1BFF;
	s21 =	sshll.u32 s7, $0x1;
	s4 =	sadd.s32 s5, s19  }
0x9d: {  	s8 =	simm.s32 $0x0;
	s20 =	sshll.u32 s6, $0x1;
	s6 =	sadd.s32 s21, s4  }
0x9e: {  	[timem:s8], [sflag:s22] =	dma.local [hbm:s6], s20  }
0x9f: {  	_ =	swait.ge [sflag:s22], s20  }
0xa0: {  	s5 =	ssub.s32 $0x0, s20;
	[sflag:s22] =	ssyncset.done $0x0  }
0xa1: {  	[sflag:s22] =	ssyncadd.s32 s5;
	_ =	sdelay $0x1  }
0xa2: {  	s23 =	simm.s32 $0x1B8B  }
0xa3: {  	_ =	swait.ge [sflag:s23], $0x1  }
0xa4: {  	[sflag:s23] =	ssyncset.done $0x0  }
0xa5: {  	s25 =	simm.s32 $0x1B8E;
	s24 =	sld [smem:$0x3FFE];
	[sflag:s23] =	ssyncadd.s32 $0xFFFFFFFF  }
0xa6: {  	s26 =	simm.s32 $execute0_lowered;
	[smem:$0x3FD2] =	sst s25  }
0xa7: {  	s6 =	sshll.u32 s26, $0x1;
	_ =	strace $0x80000046;
	[dreg:$0x1] =	wrdreg $0xFFFFFFFF  }
0xa8: {  	s28 =	simm.s32 $_size_execute0_lowered;
	s4 =	sadd.s32 s4, s6;
	[dreg:$0x0] =	wrdreg $0x0  }
0xa9: {  	s6 =	sshll.u32 s28, $0x1;
	[dreg:$0x2] =	wrdreg s4  }
0xaa: {  	[dreg:$0x3] =	wrdreg s6  }
0xab: {  	[dreg:$0x4] =	wrdreg $0xC0  }
0xac: {  	_ =	task [dreg:s8], $0x5FFFF  }
0xad: {  	[dreg:$0x1] =	wrdreg $0xFFFFFFFF  }
0xae: {  	[dreg:$0x0] =	wrdreg $0x60  }
0xaf: {  	[dreg:$0x2] =	wrdreg s2  }
0xb0: {  	[dreg:$0x3] =	wrdreg s18  }
0xb1: {  	[dreg:$0x4] =	wrdreg s24  }
0xb2: {  	[dreg:$0x5] =	wrdreg $0x9  }
0xb3: {  	_ =	task.clear_ibuf [dreg:s8], $0x6FFFF;
	_ =	strace $0x90000046  }
0xb4: {  	s29 =	simm.s32 $0x9;
	_ =	strace $0x80000048  }
0xb5: {  	_ =	swait.ge [sflag:s29], $0x1  }
0xb6: {  	[sflag:s29] =	ssyncadd.s32 $0xFFFFFFFF  }
0xb7: {  	_ =	strace $0x90000048  }
0xb8: {  	_ =	sfence  }
0xb9: {  	s30 =	sld [smem:$0x0];
	_ =	sdelay $0x2  }
0xba: {  	s31 =	sshll.u32 s1, $0xD;
	s1 =	sshrl.u32 s1, $0x2  }
0xbb: {  	s3 =	sand.u32 $0x4000, s31;
	s1 =	sadd.s32 s1, s30  }
0xbc: {  	s0 =	sor.u32 s3, s0;
	s1 =	sshll.u32 s1, $0x11  }
0xbd: {  	s0 =	sor.u32 s1, s0  }
0xbe: {  	s0 =	sadd.s32 $0x8F2B, s0  }
0xbf: {  	[sflag:s0] =	ssyncadd.remote.s32 $0x1  }
0xc0: {  	_ =	sfence.sel $0xFFFF  }
0xc1: {  	[dreg:$0x0] =	wrdreg $0xFFFFFFFF;
	(pc) =	sbr.abs _section_cstart, $3  }
0xc2: {  	[dreg:$0x1] =	wrdreg $0xFFFFFFFF  }
0xc3: {  	_ =	task.clear_ibuf [dreg:s8], $0x2FFFF;
	_ =	strace $0x9FFFFFFF  }
0xc4: {  	(tm) =	ssettm $0x7FFFFFFF  }
0xc5: {  	_ =	shalt  }
tec
execute0_lowered:
.L_overlay_start_1:
0x0: {  	(tag) =	ssettag $0x1  }
0x1: {  	s0 =	srdreg.scid  }
0x2: {  	s3 =	stileid.u32;
	s1 =	rddreg [dreg:$0x0]  }
0x3: {  	s5 =	rddreg [dreg:$0x1];
	s0 =	sand.u32 $0x1, s0;
	s2 =	sshll.u32 s3, $0x1  }
0x4: {  	s25 =	rddreg [dreg:$0x2];
	s24 =	sshrl.u32 s3, $0x2;
	s4 =	sor.u32 s0, s2  }
0x5: {  	s6 =	smul.u32 $0x6000, s24;
	s2 =	simm.s32 $0x0;
	s0 =	ssub.s32 $0x2, s0  }
0x6: {  	s7 =	sshll.u32 s4, $0x7;
	[smem:$0x7FF] =	sst s2;
	s26 =	sshrl.u32 s0, $0x1  }
0x7: {  	v1 =	vimm.s32 $0xECA86420;
	v0 =	vlaneseq.u32;
	vm0 =	vcmask $0xB08;
	s28 =	sshll.u32 s4, $0x9;
	s30 =	sshll.u32 s4, $0x6;
	s7 =	sand.u32 $0x380, s7  }
0x8: {  	vm1 =	vcmask $0x1310;
	vm2 =	vcmask $0x1B18;
	vm3 =	vcmask $0x300;
	_ =	strace $0x80000047;
	s0 =	ssub.s32 s0, s26;
	s29 =	sadd.s32 s1, s28  }
0x9: {  	vm4 =	vcmask $0x2320;
	vm5 =	vcmask $0x2B28;
	vm6 =	vcmask $0x3330;
	s1 =	sadd.s32 s5, s30;
	s6 =	sor.u32 s6, s7;
	[dreg:$0x4] =	wrdreg s29  }
0xa: {  	vm7 =	vcmask $0x3B38;
	vm8 =	vmmov $0xff;
	vm9 =	vcmask $0x704;
	s3 =	sadd.s32 $0x100, s29;
	[dreg:$0x6] =	wrdreg s1;
	s6 =	sshrl.u32 s6, $0x3  }
0xb: {  	vm10 =	vcmask $0xF0C;
	vm11 =	vcmask $0x1714;
	v1 =	vunpack.c.l.s4.s8 v1;
	s0 =	smax.u32 s0, $0x1;
	[dreg:$0x5] =	wrdreg s3;
	s6 =	sadd.s32 s6, s25  }
0xc: {  	s10 =	simm.s32 $0x6800;
	vm12 =	vcmask $0x1F1C;
	vm13 =	vcmask $0x2724;
	vm14 =	vcmask $0x2F2C;
	[dreg:$0x8] =	wrdreg s0;
	s31 =	sadd.s32 $0x600, s6  }
0xd: {  	vm15 =	vcmask $0x3734;
	v2 =	vmul.u32 $0x2, v0;
	v1 =	vunpack.c.0.s8.s32 v1;
	s4 =	simm.s32 $0x3;
	s1 =	simm.s32 $0x0;
	[dreg:$0x7] =	wrdreg s31  }
.LBB2_1:
0xe: {  	[dreg:$0x9] =	wrdreg s1  }
0xf: {  	s0 =	rddreg [dreg:$0x4];
	s26 =	simm.s32 $0x800;
	s3 =	simm.s32 $0x20000  }
0x10: {  	[tilespmem:s2], [sflag:$0x1] =	stream.strided.gather [hbm4b:s0+s26], $0x6800, s3, s26, $0x38;
	[tilespmem:$0xDE00] =	vst v63  }
0x11: {  	s28 =	rddreg [dreg:$0x5]  }
0x12: {  	[tilespmem:s10], [sflag:$0x2] =	stream.strided.gather [hbm4b:s28+s26], $0x6800, s3, s26, $0x38;
	[tilespmem:$0xDE00] =	vst v63  }
0x13: {  	s29 =	rddreg [dreg:$0x6];
	s30 =	simm.s32 $0xD000  }
0x14: {  	[tilespmem:s30], [sflag:$0x3] =	stream.linear.gather [hbm4b:s29+s2], $0x200, $0x38;
	[tilespmem:$0xDE00] =	vst v63  }
0x15: {  	_ =	swait.ge [sflag:s4], $0x200  }
0x16: {  	[sflag:s4] =	ssyncset.done $0x0  }
0x17: {  	s31 =	simm.s32 $0x1;
	[sflag:s4] =	ssyncadd.s32 $0xFFFFFE00  }
0x18: {  	_ =	swait.ge [sflag:s31], $0x6800  }
0x19: {  	[sflag:s31] =	ssyncset.done $0x0  }
0x1a: {  	s19 =	simm.s32 $0x0;
	[sflag:s31] =	ssyncadd.s32 $0xFFFF9800  }
.LBB2_2:
0x1b: {  	s20 =	sshll.u32 s19, $0x4;
	s0 =	sshll.u32 s19, $0x7  }
0x1c: {  	s7 =	simm.s32 $0x0;
	s8 =	simm.s32 $0x980;
	s11 =	simm.s32 $0x280  }
0x1d: {  	s15 =	simm.s32 $0xF00;
	s16 =	simm.s32 $0x300;
	s17 =	simm.s32 $0x580  }
0x1e: {  	s1 =	simm.s32 $0x400;
	s23 =	simm.s32 $0x480;
	s21 =	sand.u32 $0x70, s20  }
0x1f: {  	s24 =	simm.s32 $0xB00;
	s26 =	simm.s32 $0xA00;
	s28 =	simm.s32 $0x900;
	v8 =	vmov s21  }
0x20: {  	s9 =	simm.s32 $0x700;
	s29 =	simm.s32 $0x600;
	s30 =	simm.s32 $0x380  }
0x21: {  	s31 =	simm.s32 $0x500;
	s22 =	sand.u32 $0x400, s0;
	s25 =	sand.u32 $0xF800, s7  }
0x22: {  	s12 =	simm.s32 $0x500;
	s0 =	sand.u32 $0x200, s7;
	s25 =	sor.u32 s22, s25  }
0x23: {  	s18 =	simm.s32 $0x780;
	s6 =	simm.s32 $0xE00;
	s0 =	sadd.s32 s0, s25  }
0x24: {  	s23 =	sand.u32 $0x280, s23;
	s29 =	sand.u32 $0x1F800, s29;
	s24 =	sand.u32 $0x1F800, s24;
	v5 =	vld.idx.msk [tilespmem:v8+s0+$0x180 ss:$0x1], $0xffff  }
0x25: {  	s16 =	sand.u32 $0x300, s16;
	s30 =	sand.u32 $0x380, s30;
	s11 =	sand.u32 $0x280, s11;
	v7 =	vld.idx.msk [tilespmem:v8+s0+$0x100 ss:$0x1], $0xffff  }
0x26: {  	s26 =	sand.u32 $0x1F800, s26;
	s31 =	sand.u32 $0x1F800, s31;
	s17 =	sand.u32 $0x380, s17  }
0x27: {  	s3 =	sand.u32 $0x1F800, s28;
	s8 =	sand.u32 $0x380, s8;
	s29 =	sor.u32 s29, s22;
	v14 =	vld.idx.msk [tilespmem:v8+s0+$0x80 ss:$0x1], $0xffff  }
0x28: {  	s1 =	sand.u32 $0x1F800, s1;
	s24 =	sor.u32 s24, s22;
	s16 =	sadd.s32 s16, s29;
	v18 =	vld.idx.msk [tilespmem:v8+s0+$0x0 ss:$0x1], $0xffff  }
0x29: {  	s31 =	sor.u32 s31, s22;
	s13 =	sor.u32 s26, s22;
	s25 =	sand.u32 $0x1F800, s9;
	v9 =	vld.idx.msk [tilespmem:v8+s16+$0x0 ss:$0x1], $0xffff;
	v3 =	vmul.f32 $1.442695020e+00, v5  }
0x2a: {  	s26 =	sand.u32 $0x1F800, s15;
	s11 =	sadd.s32 s11, s31;
	s25 =	sor.u32 s25, s22;
	v17 =	vld.idx.msk [tilespmem:v8+s0+$0x800 ss:$0x1], $0xffff;
	v6 =	vmul.f32 $1.442695020e+00, v7  }
0x2b: {  	s5 =	sor.u32 s3, s22;
	s1 =	sor.u32 s1, s22;
	s14 =	sadd.s32 s30, s25;
	v4 =	vld.idx.msk [tilespmem:v8+s11+$0x0 ss:$0x1], $0xffff;
	(erf) = vpow2.f32 v3  }
0x2c: {  	s29 =	sand.u32 $0x300, s12;
	s17 =	sadd.s32 s17, s24;
	s31 =	simm.s32 $0x1300;
	v23 =	vld.idx.msk [tilespmem:v8+s14+$0x0 ss:$0x1], $0xffff;
	(erf) = vpow2.f32 v6  }
0x2d: {  	s7 =	sadd.s32 s23, s5;
	s30 =	sand.u32 $0x380, s18;
	s11 =	sor.u32 s26, s22;
	v19 =	vld.idx.msk [tilespmem:v8+s17+$0x0 ss:$0x1], $0xffff  }
0x2e: {  	s9 =	simm.s32 $0x700;
	v13 =	vld.idx.msk [tilespmem:v8+s7+$0x0 ss:$0x1], $0xffff;
	s14 =	simm.s32 $0x200;
	s11 =	sadd.s32 s30, s11;
	v3 =	vmul.f32 $1.442695020e+00, v14  }
0x2f: {  	s12 =	sadd.s32 s29, s13;
	s25 =	sand.u32 $0x1F800, s31;
	s16 =	sand.u32 $0x200, s14;
	v11 =	vld.idx.msk [tilespmem:v8+s11+$0x0 ss:$0x1], $0xffff;
	v6 =	vmul.f32 $1.442695020e+00, v18  }
0x30: {  	s4 =	sor.u32 s25, s22;
	v15 =	vld.idx.msk [tilespmem:v8+s12+$0x0 ss:$0x1], $0xffff;
	s11 =	sand.u32 $0x1F800, s6;
	s1 =	sadd.s32 s16, s1;
	v10 =	vmul.f32 $1.442695020e+00, v9;
	(erf) = vpow2.f32 v3  }
0x31: {  	s13 =	sand.u32 $0x300, s9;
	s8 =	sadd.s32 s8, s4;
	s11 =	sor.u32 s11, s22;
	v12 =	vld.idx.msk [tilespmem:v8+s1+$0x0 ss:$0x1], $0xffff;
	(erf) = vpow2.f32 v6;
	v6 =	vmul.f32 $1.442695020e+00, v17  }
0x32: {  	s15 =	sadd.s32 s13, s11;
	v26 =	vmul.f32 $1.442695020e+00, v4;
	v3 =	vld.idx.msk [tilespmem:v8+s8+$0x0 ss:$0x1], $0xffff;
	(erf) = vpow2.f32 v10  }
0x33: {  	v20 =	vld.idx.msk [tilespmem:v8+s15+$0x0 ss:$0x1], $0xffff;
	v10 =	vmul.f32 $1.442695020e+00, v23;
	(erf) = vpow2.f32 v6  }
0x34: {  	s23 =	simm.s32 $0x1400;
	s24 =	simm.s32 $0x680;
	v16 =	vmul.f32 $1.442695020e+00, v19;
	v21 =	vmul.f32 $1.442695020e+00, v11;
	v6 =	vld.idx.msk [tilespmem:v8+s0+$0x1000 ss:$0x1], $0xffff;
	v24 =	vpop (erf)  }
0x35: {  	s29 =	simm.s32 $0x600;
	s18 =	simm.s32 $0xC00;
	s17 =	simm.s32 $0xD00;
	v34 =	vmul.f32 $1.442695020e+00, v13;
	v32 =	vpop (erf);
	(erf) = vpow2.f32 v10  }
0x36: {  	s31 =	simm.s32 $0x880;
	s25 =	simm.s32 $0x1200;
	v37 =	vmul.f32 $1.442695020e+00, v15;
	s8 =	sand.u32 $0x1F800, s17;
	(erf) = vpow2.f32 v21  }
0x37: {  	s26 =	simm.s32 $0x900;
	s11 =	sand.u32 $0x280, s24;
	v35 =	vmul.f32 $1.442695020e+00, v12;
	s8 =	sor.u32 s8, s22;
	v31 =	vmul.f32 $1.442695020e+00, v3  }
0x38: {  	v36 =	vimm.f32 $0.0e+00;
	s28 =	sand.u32 $0x300, s26;
	s8 =	sadd.s32 s11, s8;
	s0 =	sand.u32 $0x1F800, s18;
	v25 =	vmul.f32 v24, v5;
	v10 =	vmul.f32 $1.442695020e+00, v20  }
0x39: {  	s1 =	sand.u32 $0x1F800, s25;
	s15 =	sand.u32 $0x200, s29;
	s0 =	sor.u32 s0, s22;
	v28 =	vadd.f32 v24, v36;
	v27 =	vmul.f32 $1.442695020e+00, v6;
	v33 =	vmul.f32 v32, v7;
	v22 =	vpop (erf);
	v7 =	vld.idx.msk [tilespmem:v8+s8+$0x0 ss:$0x1], $0xffff  }
0x3a: {  	s30 =	simm.s32 $0x1100;
	s1 =	sor.u32 s1, s22;
	s0 =	sadd.s32 s15, s0;
	v5 =	vld [tilespmem:s20+$0xD000];
	v24 =	vimm.f32 $0.0e+00;
	v40 =	vadd.f32 v32, v36;
	(erf) = vpow2.f32 v16;
	v30 =	vpop (erf)  }
0x3b: {  	s25 =	simm.s32 $0x1380;
	s1 =	sadd.s32 s28, s1;
	s8 =	sand.u32 $0x1F800, s30;
	v32 =	vimm.f32 $0.0e+00;
	v21 =	vimm.f32 $0.0e+00;
	v16 =	vld.idx.msk [tilespmem:v8+s0+$0x0 ss:$0x1], $0xffff;
	(erf) = vpow2.f32 v10;
	v39 =	vpop (erf)  }
0x3c: {  	s24 =	simm.s32 $0x200;
	v29 =	vadd.f32 v25, v36;
	s26 =	sor.u32 s8, s22;
	v25 =	vimm.f32 $0.0e+00;
	v10 =	vld.idx.msk [tilespmem:v8+s1+$0x0 ss:$0x1], $0xffff;
	s1 =	sand.u32 $0x280, s31;
	v38 =	vmul.f32 v39, v9;
	v9 =	vpop (erf)  }
.LBB2_3:
0x3d: {  	s16 =	sadd.s32 $0xFFFFF900, s25  }
0x3e: {  	s0 =	sadd.s32 $0xF00, s23;
	v36 =	vadd.f32 v33, v36;
	v41 =	vmul.f32 $1.442695020e+00, v7;
	s1 =	sadd.s32 s1, s26;
	v42 =	vpop (erf);
	(erf) = vpow2.f32 v37;
	s26 =	smov.u32 s23  }
0x3f: {  	s8 =	sadd.s32 $0xFFFFF880, s25;
	s17 =	sadd.s32 $0xFFFFF980, s25;
	s30 =	sadd.s32 $0xFFFFFC00, s25;
	v37 =	vadd.f32 v39, v40;
	v23 =	vmul.f32 v42, v23;
	v33 =	vld.idx.msk [tilespmem:v8+s1+$0x0 ss:$0x1], $0xffff;
	(erf) = vpow2.f32 v34;
	v34 =	vpop (erf)  }
0x40: {  	s15 =	sadd.s32 $0x400, s23;
	s31 =	sadd.s32 $0xB00, s23;
	s1 =	sadd.s32 $0xFFFFFB00, s25;
	v36 =	vadd.f32 v38, v36;
	v38 =	vmul.f32 $1.442695020e+00, v16;
	(erf) = vpow2.f32 v26  }
0x41: {  	s11 =	sand.u32 $0xF800, s23;
	s9 =	sadd.s32 $0xA00, s23;
	s29 =	sand.u32 $0x280, s1;
	v26 =	vmul.f32 $1.442695020e+00, v10;
	(erf) = vpow2.f32 v31  }
0x42: {  	s28 =	sor.u32 s22, s11;
	s11 =	sadd.s32 $0x900, s23;
	v39 =	vmul.f32 v30, v18;
	s1 =	sand.u32 $0x200, s24;
	(erf) = vpow2.f32 v35  }
0x43: {  	s28 =	sadd.s32 s1, s28;
	s1 =	sand.u32 $0x200, s8;
	s8 =	sadd.s32 $0x700, s23;
	v35 =	vmul.f32 v22, v14;
	v14 =	vadd.f32 v42, v28;
	v18 =	vpop (erf);
	(erf) = vpow2.f32 v38  }
0x44: {  	s4 =	sadd.s32 $0x600, s23;
	s5 =	sadd.s32 $0xFFFFFA00, s25;
	s8 =	sand.u32 $0x1F800, s8;
	v28 =	vadd.f32 v30, v32;
	v32 =	vmul.f32 v9, v17;
	v31 =	vld.idx.msk [tilespmem:v8+s28+$0x180 ss:$0x1], $0xffff;
	v38 =	vpop (erf);
	(erf) = vpow2.f32 v26  }
0x45: {  	s4 =	sand.u32 $0x1F800, s4;
	s31 =	sand.u32 $0x1F800, s31;
	s8 =	sor.u32 s8, s22;
	v17 =	vadd.f32 v18, v14;
	v19 =	vmul.f32 v18, v19;
	v30 =	vld.idx.msk [tilespmem:v8+s28+$0x100 ss:$0x1], $0xffff;
	(erf) = vpow2.f32 v41  }
0x46: {  	s17 =	sand.u32 $0x300, s17;
	s5 =	sand.u32 $0x380, s5;
	s4 =	sor.u32 s4, s22;
	v26 =	vadd.f32 v23, v29;
	v23 =	vmul.f32 $1.442695020e+00, v33;
	v14 =	vld.idx.msk [tilespmem:v8+s28+$0x80 ss:$0x1], $0xffff;
	(erf) = vpow2.f32 v27  }
0x47: {  	s6 =	sadd.s32 $0x500, s23;
	s4 =	sadd.s32 s17, s4;
	s17 =	sadd.s32 $0xFFFFFB80, s25;
	v29 =	vmul.f32 v38, v20;
	v20 =	vadd.f32 v34, v17;
	v27 =	vmul.f32 v34, v11;
	v18 =	vld.idx.msk [tilespmem:v8+s28+$0x0 ss:$0x1], $0xffff;
	v11 =	vpop (erf)  }
0x48: {  	s16 =	sand.u32 $0x280, s16;
	s9 =	sand.u32 $0x1F800, s9;
	s31 =	sor.u32 s31, s22;
	v21 =	vadd.f32 v39, v21;
	v17 =	vld.idx.msk [tilespmem:v8+s28+$0x800 ss:$0x1], $0xffff;
	v34 =	vadd.f32 v11, v37;
	v37 =	vpop (erf);
	(erf) = vpow2.f32 v23  }
0x49: {  	s6 =	sand.u32 $0x1F800, s6;
	s30 =	sand.u32 $0x380, s30;
	v39 =	vadd.f32 v22, v25;
	s17 =	sand.u32 $0x300, s17;
	v11 =	vmul.f32 v11, v15;
	v22 =	vmul.f32 v37, v13;
	v40 =	vpop (erf)  }
0x4a: {  	s15 =	sand.u32 $0x1F800, s15;
	s6 =	sor.u32 s6, s22;
	v15 =	vadd.f32 v35, v24;
	v13 =	vmul.f32 $1.442695020e+00, v31;
	v25 =	vld.idx.msk [tilespmem:v8+s4+$0x0 ss:$0x1], $0xffff;
	s4 =	sor.u32 s9, s22;
	v24 =	vmul.f32 v40, v4;
	v4 =	vpop (erf)  }
0x4b: {  	s6 =	sadd.s32 s16, s6;
	v35 =	vmul.f32 $1.442695020e+00, v30;
	s9 =	sor.u32 s15, s22;
	s15 =	sadd.s32 s30, s31;
	v41 =	vadd.f32 v4, v20;
	v42 =	vmul.f32 v4, v3;
	v20 =	vpop (erf)  }
0x4c: {  	s0 =	sand.u32 $0x1F800, s0;
	s5 =	sadd.s32 s5, s8;
	v36 =	vadd.f32 v11, v36;
	v4 =	vld.idx.msk [tilespmem:v8+s6+$0x0 ss:$0x1], $0xffff;
	s6 =	sadd.s32 $0xFFFFFE00, s25;
	(erf) = vpow2.f32 v13;
	v3 =	vmul.f32 v20, v12;
	v43 =	vpop (erf)  }
0x4d: {  	s0 =	sor.u32 s0, s22;
	v38 =	vadd.f32 v38, v34;
	v23 =	vld.idx.msk [tilespmem:v8+s5+$0x0 ss:$0x1], $0xffff;
	s5 =	sand.u32 $0x380, s6;
	s6 =	sadd.s32 $0x1300, s23;
	(erf) = vpow2.f32 v35;
	v35 =	vadd.f32 v19, v26;
	v44 =	vpop (erf)  }
0x4e: {  	s8 =	sand.u32 $0x1F800, s11;
	v12 =	vmul.f32 $1.442695020e+00, v17;
	v19 =	vld.idx.msk [tilespmem:v8+s15+$0x0 ss:$0x1], $0xffff;
	s0 =	sadd.s32 s5, s0;
	s5 =	sand.u32 $0x1F800, s6;
	v3 =	vadd.f32 v3, v21;
	v34 =	vmul.f32 v44, v10;
	v45 =	vpop (erf)  }
0x4f: {  	v24 =	vadd.f32 v24, v15;
	v15 =	vmul.f32 v43, v16;
	v10 =	vmul.f32 $1.442695020e+00, v18;
	s6 =	sor.u32 s8, s22;
	v11 =	vld.idx.msk [tilespmem:v8+s0+$0x0 ss:$0x1], $0xffff;
	s0 =	sand.u32 $0x380, s25;
	s5 =	sor.u32 s5, s22;
	v46 =	vpop (erf)  }
0x50: {  	s4 =	sadd.s32 s17, s4;
	v16 =	vmul.f32 $1.442695020e+00, v14;
	s8 =	sadd.s32 $0xE00, s23;
	v47 =	vmul.f32 $1.442695020e+00, v25;
	s0 =	sadd.s32 s0, s5;
	v21 =	vadd.f32 v32, v3  }
0x51: {  	v48 =	vmul.f32 v45, v7;
	s5 =	sadd.s32 s29, s6;
	s6 =	sand.u32 $0x1F800, s8;
	s8 =	sadd.s32 $0xFFFFFD80, s25;
	v32 =	vadd.f32 v20, v28;
	v6 =	vmul.f32 v46, v6;
	v3 =	vld.idx.msk [tilespmem:v8+s0+$0x0 ss:$0x1], $0xffff;
	v49 =	vpop (erf)  }
0x52: {  	s0 =	sadd.s32 s1, s9;
	v26 =	vmul.f32 $1.442695020e+00, v4;
	s1 =	sand.u32 $0x300, s8;
	v13 =	vld.idx.msk [tilespmem:v8+s5+$0x0 ss:$0x1], $0xffff;
	s5 =	sor.u32 s6, s22;
	(erf) = vpow2.f32 v16;
	v7 =	vadd.f32 v15, v21  }
0x53: {  	p0 =	sne.s32 s23, $0x5000;
	s23 =	sadd.s32 $0x1400, s23;
	v28 =	vadd.f32 v40, v39;
	v16 =	vmul.f32 $1.442695020e+00, v23;
	v40 =	vmul.f32 v49, v33;
	v15 =	vld.idx.msk [tilespmem:v8+s4+$0x0 ss:$0x1], $0xffff;
	s1 =	sadd.s32 s1, s5  }
0x54: {  	v39 =	vmul.f32 $1.442695020e+00, v19;
	s4 =	sadd.s32 $0xC00, s26;
	s5 =	sadd.s32 $0xD00, s26;
	v20 =	vld.idx.msk [tilespmem:v8+s1+$0x0 ss:$0x1], $0xffff;
	s1 =	sadd.s32 $0xFFFFFF80, s25;
	(erf) = vpow2.f32 v10;
	v21 =	vadd.f32 v6, v7  }
0x55: {  	s8 =	sadd.s32 $0x1200, s26;
	s6 =	sadd.s32 $0xFFFFFD00, s25;
	s5 =	sand.u32 $0x1F800, s5;
	v10 =	vmul.f32 $1.442695020e+00, v11;
	v6 =	vpop (erf);
	(erf) = vpow2.f32 v47;
	v47 =	vadd.f32 v37, v28  }
0x56: {  	s8 =	sand.u32 $0x1F800, s8;
	s6 =	sand.u32 $0x280, s6;
	s5 =	sor.u32 s5, s22;
	v28 =	vadd.f32 v6, v41;
	v41 =	vmul.f32 v6, v31;
	v6 =	vld.idx.msk [tilespmem:v8+s28+$0x1000 ss:$0x1], $0xffff;
	v50 =	vpop (erf);
	(erf) = vpow2.f32 v12  }
0x57: {  	s1 =	sand.u32 $0x300, s1;
	v33 =	vmul.f32 v50, v30;
	v12 =	vld.idx.msk [tilespmem:v8+s0+$0x0 ss:$0x1], $0xffff;
	s0 =	sadd.s32 s6, s5;
	s5 =	sor.u32 s8, s22;
	(erf) = vpow2.f32 v16;
	v16 =	vadd.f32 v29, v36  }
0x58: {  	v27 =	vadd.f32 v27, v35;
	v9 =	vadd.f32 v9, v32;
	s4 =	sand.u32 $0x1F800, s4;
	s6 =	sadd.s32 $0xFFFFFC80, s25;
	v7 =	vld.idx.msk [tilespmem:v8+s0+$0x0 ss:$0x1], $0xffff;
	s0 =	sadd.s32 s1, s5;
	(erf) = vpow2.f32 v10  }
0x59: {  	v24 =	vadd.f32 v22, v24;
	s4 =	sor.u32 s4, s22;
	v31 =	vmul.f32 $1.442695020e+00, v3;
	s1 =	sand.u32 $0x200, s6;
	v10 =	vld.idx.msk [tilespmem:v8+s0+$0x0 ss:$0x1], $0xffff;
	v36 =	vadd.f32 v34, v16  }
0x5a: {  	v9 =	vadd.f32 v43, v9;
	v29 =	vadd.f32 v42, v27;
	v34 =	vmul.f32 $1.442695020e+00, v13;
	s0 =	sadd.s32 s1, s4  }
.Ltmp0:
0x5b: {  	v24 =	vadd.f32 v48, v24;
	v37 =	vmul.f32 $1.442695020e+00, v15;
	v35 =	vmul.f32 $1.442695020e+00, v20;
	v16 =	vld.idx.msk [tilespmem:v8+s0+$0x0 ss:$0x1], $0xffff;
	v22 =	vpop (erf);
	(pc) =	sbr.rel @p0 .LBB2_3-.Ltmp0, $4  }
0x5c: {  	v43 =	vadd.f32 v44, v38;
	v32 =	vadd.f32 v46, v9;
	(erf) = vpow2.f32 v39  }
0x5d: {  	v42 =	vadd.f32 v45, v47;
	v27 =	vmul.f32 $1.442695020e+00, v6;
	s0 =	sadd.s32 $0x1100, s26;
	v30 =	vpop (erf);
	(erf) = vpow2.f32 v35  }
0x5e: {  	s24 =	sadd.s32 $0x200, s24;
	v24 =	vadd.f32 v40, v24;
	v29 =	vadd.f32 v41, v29;
	s1 =	sadd.s32 $0xFFFFFF00, s25;
	s0 =	sand.u32 $0x1F800, s0;
	v35 =	vmul.f32 $1.442695020e+00, v12;
	v39 =	vpop (erf)  }
0x5f: {  	v40 =	vadd.f32 v50, v43;
	s25 =	sadd.s32 $0xA00, s25;
	s1 =	sand.u32 $0x280, s1;
	s26 =	sor.u32 s0, s22;
	v38 =	vmul.f32 v39, v25;
	v9 =	vpop (erf);
	v25 =	vadd.f32 v49, v42  }
0x60: {  	(v2sf) =	vpush v5, $0xD;
	_ =	sdelay $0x1  }
0x61: {  	(v2sf) =	vpush v5, $0xC;
	_ =	sdelay $0x1  }
0x62: {  	(v2sf) =	vpush v5, $0xE;
	_ =	sdelay $0x1  }
0x63: {  	(v2sf) =	vpush v5, $0xF;
	_ =	sdelay $0x1  }
0x64: {  	(v2sf) =	vpush v5, $0x9;
	_ =	sdelay $0x1  }
0x65: {  	(v2sf) =	vpush v5, $0x8;
	_ =	sdelay $0x1  }
0x66: {  	(v2sf) =	vpush v5, $0xA;
	_ =	sdelay $0x1  }
0x67: {  	(v2sf) =	vpush v5, $0xB  }
0x68: {  	(v2sf) =	vpush v5, $0x0;
	s0 =	spop (v2sf)  }
0x69: {  	s6 =	smulhi.u32 $0x66666667, s0;
	s0 =	sshra.s32 s0, $0x1F  }
0x6a: {  	(v2sf) =	vpush v5, $0x1;
	s4 =	spop (v2sf);
	s0 =	smul.u32 $0x66666667, s0  }
0x6b: {  	s16 =	smulhi.u32 $0x66666667, s4;
	s4 =	sshra.s32 s4, $0x1F  }
0x6c: {  	(v2sf) =	vpush v5, $0x2;
	s5 =	spop (v2sf);
	s4 =	smul.u32 $0x66666667, s4  }
0x6d: {  	s22 =	smulhi.u32 $0x66666667, s5;
	s5 =	sshra.s32 s5, $0x1F  }
0x6e: {  	(v2sf) =	vpush v5, $0x3;
	s8 =	spop (v2sf);
	s5 =	smul.u32 $0x66666667, s5  }
0x6f: {  	(v2sf) =	vpush v5, $0x4;
	s28 =	smulhi.u32 $0x66666667, s8;
	s8 =	sshra.s32 s8, $0x1F  }
0x70: {  	(v2sf) =	vpush v5, $0x5;
	s9 =	spop (v2sf);
	s29 =	smul.u32 $0x66666667, s8  }
0x71: {  	(v2sf) =	vpush v5, $0x6;
	s7 =	smulhi.u32 $0x66666667, s9;
	s3 =	sshra.s32 s9, $0x1F  }
0x72: {  	(v2sf) =	vpush v5, $0x7;
	s11 =	spop (v2sf);
	s3 =	smul.u32 $0x66666667, s3  }
0x73: {  	s13 =	smulhi.u32 $0x66666667, s11;
	s11 =	sshra.s32 s11, $0x1F  }
0x74: {  	s23 =	sadd.s32 s0, s6;
	s17 =	spop (v2sf);
	s14 =	smul.u32 $0x66666667, s11  }
0x75: {  	s0 =	sadd.s32 s4, s16;
	s6 =	smulhi.u32 $0x66666667, s17;
	s12 =	sshra.s32 s17, $0x1F  }
0x76: {  	s24 =	spop (v2sf);
	s17 =	sshrl.u32 s23, $0x1F;
	s12 =	smul.u32 $0x66666667, s12  }
0x77: {  	s25 =	spop (v2sf);
	s4 =	smulhi.u32 $0x66666667, s24;
	s18 =	sshra.s32 s24, $0x1F  }
0x78: {  	s24 =	sadd.s32 s5, s22;
	s5 =	sshrl.u32 s0, $0x1F;
	s22 =	sadd.s32 s29, s28  }
0x79: {  	s0 =	sshra.s32 s0, $0x1;
	s30 =	spop (v2sf);
	s16 =	smul.u32 $0x66666667, s18  }
0x7a: {  	s18 =	smulhi.u32 $0x66666667, s25;
	s29 =	sshra.s32 s25, $0x1F;
	s25 =	sadd.s32 s14, s13  }
0x7b: {  	s13 =	sshrl.u32 s24, $0x1F;
	s31 =	spop (v2sf);
	s14 =	smul.u32 $0x66666667, s29  }
0x7c: {  	(erf) = vpow2.f32 v37;
	v62 =	vmul.f32 $1.442695020e+00, v7;
	v41 =	vmov s5;
	s5 =	smulhi.u32 $0x66666667, s30;
	s28 =	sshra.s32 s30, $0x1F;
	s30 =	sshrl.u32 s22, $0x1F  }
0x7d: {  	v36 =	vadd.f32 v33, v36;
	v43 =	vmul.f32 $1.442695020e+00, v16;
	v45 =	vmul.f32 $1.442695020e+00, v10;
	s29 =	sadd.s32 s3, s7;
	s3 =	sshrl.u32 s25, $0x1F;
	s9 =	spop (v2sf)  }
0x7e: {  	v46 =	vmul.f32 v30, v18;
	v48 =	vmul.f32 v22, v14;
	v41 =	vsel vm0, s17, v41;
	s7 =	smul.u32 $0x66666667, s28;
	s28 =	sadd.s32 s12, s6;
	s8 =	spop (v2sf)  }
0x7f: {  	v61 =	vpop (erf);
	v14 =	vadd.f32 v30, v32;
	v17 =	vmul.f32 v9, v17;
	v41 =	vsel vm1, s13, v41;
	s6 =	smulhi.u32 $0x66666667, s31;
	s17 =	sshra.s32 s31, $0x1F;
	s15 =	spop (v2sf)  }
0x80: {  	v33 =	vadd.f32 v39, v40;
	v63 =	vmul.f32 v61, v23;
	s16 =	sadd.s32 s16, s4;
	v41 =	vsel vm2, s30, v41;
	s30 =	sshrl.u32 s29, $0x1F;
	s11 =	spop (v2sf)  }
0x81: {  	(erf) = vpow2.f32 v34;
	v28 =	vadd.f32 v61, v28;
	v22 =	vadd.f32 v22, v25;
	s12 =	smul.u32 $0x66666667, s17;
	s13 =	sadd.s32 s14, s18;
	s18 =	spop (v2sf)  }
0x82: {  	v50 =	vpop (erf);
	v40 =	vmov s20;
	v23 =	vadd.f32 v38, v36;
	v42 =	vmov s3;
	s5 =	sadd.s32 s7, s5;
	s7 =	smulhi.u32 $0x66666667, s18;
	s17 =	sshra.s32 s18, $0x1F  }
0x83: {  	(erf) = vpow2.f32 v26;
	v11 =	vmul.f32 v50, v11;
	s31 =	sshrl.u32 s28, $0x1F;
	v42 =	vsel vm0, s30, v42;
	s30 =	sshrl.u32 s13, $0x1F;
	s17 =	smul.u32 $0x66666667, s17  }
0x84: {  	(erf) = vpow2.f32 v31;
	s14 =	smulhi.u32 $0x66666667, s9;
	v42 =	vsel vm1, s31, v42;
	v44 =	vmov s30;
	s31 =	sshrl.u32 s5, $0x1F;
	s18 =	sadd.s32 s1, s26  }
0x85: {  	v21 =	vadd.f32 v46, v21;
	(erf) = vpow2.f32 v35;
	v26 =	vnsel vm3, $0x0, v44;
	s26 =	smulhi.u32 $0x66666667, s8;
	s8 =	sshra.s32 s8, $0x1F;
	s1 =	sadd.s32 s17, s7  }
0x86: {  	v29 =	vadd.f32 v63, v29;
	(erf) = vpow2.f32 v43;
	v52 =	vpop (erf);
	s9 =	sshra.s32 s9, $0x1F;
	v47 =	vsel vm0, s31, v26;
	s30 =	smul.u32 $0x66666667, s8;
	s31 =	sshra.s32 s1, $0x1F  }
0x87: {  	(erf) = vpow2.f32 v45;
	v28 =	vadd.f32 v52, v28;
	s9 =	smul.u32 $0x66666667, s9;
	s6 =	sadd.s32 s12, s6;
	s17 =	sshra.s32 s13, $0x1;
	v49 =	vmov s31  }
0x88: {  	v19 =	vmul.f32 v52, v19;
	(erf) = vpow2.f32 v62;
	s12 =	sshra.s32 s15, $0x1F;
	s3 =	sadd.s32 s30, s26;
	s30 =	sshra.s32 s13, $0x1F;
	v51 =	vsel vm3, s17, v49  }
0x89: {  	v24 =	vadd.f32 v48, v24;
	v55 =	vpop (erf);
	(erf) = vpow2.f32 v27;
	s8 =	sadd.s32 s9, s14;
	s9 =	smul.u32 $0x66666667, s12;
	s13 =	sshra.s32 s5, $0x1;
	v30 =	vsel vm9, s30, v51  }
0x8a: {  	v28 =	vadd.f32 v50, v28;
	v19 =	vadd.f32 v19, v29;
	v62 =	vpop (erf);
	v8 =	vld.idx.msk [tilespmem:v8+s18+$0x0 ss:$0x1], $0xffff;
	s18 =	sshrl.u32 s16, $0x1F;
	s26 =	sshrl.u32 s6, $0x1F;
	s5 =	sshra.s32 s5, $0x1F;
	v30 =	vsel vm0, s13, v30  }
0x8b: {  	v63 =	vadd.f32 v62, v33;
	v33 =	vpop (erf);
	s14 =	sshrl.u32 s8, $0x1F;
	v18 =	vsel vm1, s26, v47;
	s31 =	smulhi.u32 $0x66666667, s15;
	s17 =	sshra.s32 s6, $0x1;
	v54 =	vsel vm10, s5, v30  }
0x8c: {  	v15 =	vmul.f32 v62, v15;
	v25 =	vpop (erf);
	v53 =	vsel vm2, s14, v18;
	s15 =	smulhi.u32 $0x66666667, s11;
	s11 =	sshra.s32 s11, $0x1F;
	s6 =	sshra.s32 s6, $0x1F;
	v18 =	vsel vm1, s17, v54  }
0x8d: {  	v13 =	vmul.f32 v33, v13;
	v4 =	vmul.f32 v25, v4;
	s12 =	sshra.s32 s25, $0x1;
	s11 =	smul.u32 $0x66666667, s11;
	s30 =	sshra.s32 s8, $0x1;
	v57 =	vsel vm11, s6, v18  }
0x8e: {  	v60 =	vmov s0;
	s25 =	sshra.s32 s16, $0x1;
	v61 =	vmov s12;
	s14 =	sshra.s32 s29, $0x1;
	s8 =	sshra.s32 s8, $0x1F;
	v27 =	vsel vm2, s30, v57  }
0x8f: {  	v59 =	vsel vm2, s18, v42;
	s18 =	sshra.s32 s28, $0x1;
	v36 =	vsel vm0, s14, v61;
	s7 =	sadd.s32 s11, s15;
	s11 =	sshra.s32 s3, $0x1;
	v27 =	vsel vm12, s8, v27  }
0x90: {  	v32 =	vcombine.low v59, v41;
	s26 =	sshrl.u32 s3, $0x1F;
	s4 =	sadd.s32 s9, s31;
	v36 =	vsel vm1, s18, v36;
	s3 =	sshra.s32 s3, $0x1F;
	v27 =	vsel vm4, s11, v27  }
0x91: {  	v58 =	vsel vm4, s26, v53;
	s13 =	sshra.s32 s23, $0x1;
	s15 =	sshra.s32 s4, $0x1;
	v36 =	vsel vm2, s25, v36;
	v27 =	vsel vm13, s3, v27  }
0x92: {  	s31 =	sshrl.u32 s4, $0x1F;
	s23 =	sshra.s32 s4, $0x1F;
	v34 =	vsel vm0, s13, v60;
	s17 =	sshra.s32 s24, $0x1;
	v18 =	vmul.f32 v55, v20;
	v27 =	vsel vm5, s15, v27  }
0x93: {  	s9 =	sshrl.u32 s7, $0x1F;
	s26 =	sshra.s32 s7, $0x1;
	s24 =	sshra.s32 s22, $0x1;
	v20 =	vsel vm5, s31, v58;
	v34 =	vsel vm1, s17, v34;
	v27 =	vsel vm14, s23, v27  }
0x94: {  	s28 =	sshrl.u32 s1, $0x1F;
	s29 =	sshra.s32 s7, $0x1F;
	v20 =	vsel vm6, s9, v20;
	v34 =	vsel vm2, s24, v34;
	v27 =	vsel vm6, s26, v27  }
0x95: {  	s30 =	sshra.s32 s1, $0x1;
	v20 =	vsel vm7, s28, v20;
	v34 =	vcombine.low v36, v34;
	v27 =	vsel vm15, s29, v27  }
0x96: {  	v32 =	vperm.xlane v32, v1;
	v20 =	vperm.xlane v20, v2;
	v27 =	vsel vm7, s30, v27  }
0x97: {  	v11 =	vadd.f32 v11, v19;
	v34 =	vperm.xlane v34, v1;
	v27 =	vperm.xlane v27, v2  }
0x98: {  	v15 =	vadd.f32 v15, v23;
	v4 =	vadd.f32 v4, v24;
	v26 =	vpop (erf);
	v41 =	vor.u32 s20, v0  }
0x99: {  	v52 =	vpop (erf);
	v56 =	vmul.f32 $1.442695020e+00, v8;
	v20 =	vsel vm8, v20, v32;
	v27 =	vsel vm8, v27, v34  }
0x9a: {  	v12 =	vmul.f32 v52, v12;
	v53 =	vadd.f32 v55, v63;
	v20 =	vadd.s32 v20, v27  }
0x9b: {  	(erf) = vpow2.f32 v56;
	v56 =	vshll.u32 v5, $0x7;
	v20 =	vmul.u32 $0x5, v20  }
0x9c: {  	v32 =	vand.u32 $0x7F, v41;
	v27 =	vadd.f32 v26, v28;
	v28 =	vshll.u32 v40, $0x3  }
0x9d: {  	v28 =	vand.u32 $0x400, v28;
	v42 =	vshll.u32 v20, $0x8;
	v43 =	vshll.u32 v20, $0x7  }
0x9e: {  	v44 =	vadd.s32 $0x1, v20;
	v46 =	vadd.s32 $0x2, v20;
	v49 =	vadd.s32 $0x3, v20  }
0x9f: {  	v20 =	vadd.s32 $0x4, v20;
	v34 =	vand.u32 $0xFFFFF800, v42;
	v35 =	vand.u32 $0x380, v43  }
0xa0: {  	v45 =	vshll.u32 v44, $0x8;
	v47 =	vshll.u32 v46, $0x8;
	v37 =	vshll.u32 v46, $0x7  }
0xa1: {  	v50 =	vshll.u32 v49, $0x8;
	v34 =	vor.u32 v34, v35;
	v35 =	vshll.u32 v44, $0x7  }
0xa2: {  	v36 =	vand.u32 $0xFFFFF800, v45;
	v34 =	vor.u32 v28, v34;
	v35 =	vand.u32 $0x380, v35  }
0xa3: {  	v51 =	vshll.u32 v20, $0x8;
	v35 =	vor.u32 v36, v35;
	v34 =	vor.u32 v32, v34  }
0xa4: {  	v48 =	vand.u32 $0xFFFFF800, v47;
	v37 =	vand.u32 $0x380, v37;
	v35 =	vor.u32 v28, v35  }
0xa5: {  	v36 =	vor.u32 v48, v37;
	v37 =	vshll.u32 v49, $0x7;
	v35 =	vor.u32 v32, v35  }
0xa6: {  	v38 =	vand.u32 $0xFFFFF800, v50;
	v36 =	vor.u32 v28, v36;
	v37 =	vand.u32 $0x380, v37  }
0xa7: {  	v20 =	vshll.u32 v20, $0x7;
	v36 =	vor.u32 v32, v36;
	v37 =	vor.u32 v38, v37  }
0xa8: {  	v20 =	vand.u32 $0x380, v20;
	v38 =	vand.u32 $0xFFFFF800, v51;
	v37 =	vor.u32 v28, v37;
	v34 =	vld.idx.msk [tilespmem:v34+s2+$0x0], $0xffff  }
0xa9: {  	v55 =	vshll.u32 v5, $0x8;
	v20 =	vor.u32 v38, v20;
	v37 =	vor.u32 v32, v37  }
0xaa: {  	v5 =	vand.u32 $0x380, v56;
	v30 =	vand.u32 $0xFFFFF800, v55;
	v20 =	vor.u32 v28, v20;
	v23 =	vld.idx.msk [tilespmem:v35+s2+$0x0], $0xffff  }
0xab: {  	v4 =	vadd.f32 v13, v4;
	v5 =	vor.u32 v30, v5;
	v20 =	vor.u32 v32, v20  }
0xac: {  	v3 =	vmul.f32 v26, v3;
	v12 =	vadd.f32 v12, v21;
	v54 =	vpop (erf);
	v5 =	vor.u32 v28, v5;
	v24 =	vld.idx.msk [tilespmem:v36+s2+$0x0], $0xffff  }
0xad: {  	v14 =	vadd.f32 v52, v14;
	v57 =	vpop (erf);
	v5 =	vor.u32 v32, v5;
	v58 =	vmul.f32 $1.442695020e+00, v34  }
0xae: {  	v3 =	vadd.f32 v3, v11;
	v12 =	vadd.f32 v17, v12;
	v60 =	vmul.f32 v54, v16;
	v59 =	vpop (erf);
	v61 =	vld.idx.msk [tilespmem:v37+s2+$0x0], $0xffff  }
0xaf: {  	v15 =	vadd.f32 v18, v15;
	v62 =	vpop (erf);
	(erf) = vpow2.f32 v58;
	v63 =	vmul.f32 $1.442695020e+00, v23  }
0xb0: {  	v12 =	vadd.f32 v60, v12;
	v6 =	vmul.f32 v62, v6;
	v42 =	vmul.f32 v57, v10;
	v28 =	vld.idx.msk [tilespmem:v20+s2+$0x0], $0xffff  }
0xb1: {  	v43 =	vadd.f32 v9, v14;
	v38 =	vmul.f32 $1.442695020e+00, v24;
	(erf) = vpow2.f32 v63  }
0xb2: {  	v6 =	vadd.f32 v6, v12;
	v45 =	vmul.f32 v59, v7;
	v10 =	vadd.f32 v42, v15;
	v5 =	vld.idx.msk [tilespmem:v5+s2+$0x0], $0xffff  }
0xb3: {  	v9 =	vadd.f32 v54, v43;
	v41 =	vmul.f32 $1.442695020e+00, v61;
	(erf) = vpow2.f32 v38  }
0xb4: {  	v4 =	vadd.f32 v45, v4;
	v37 =	vadd.f32 v25, v22  }
0xb5: {  	v46 =	vpop (erf);
	v49 =	vadd.f32 v57, v53;
	v44 =	vmul.f32 $1.442695020e+00, v28;
	(erf) = vpow2.f32 v41  }
0xb6: {  	v8 =	vmul.f32 v46, v8;
	v9 =	vadd.f32 v62, v9;
	v40 =	vadd.f32 v33, v37  }
0xb7: {  	v3 =	vadd.f32 v3, v10;
	v52 =	vmul.f32 $1.442695020e+00, v5;
	(erf) = vpow2.f32 v44  }
0xb8: {  	v4 =	vadd.f32 v8, v4;
	v47 =	vadd.f32 v59, v40;
	v48 =	vpop (erf)  }
0xb9: {  	v12 =	vadd.f32 v27, v49;
	(erf) = vpow2.f32 v52;
	v50 =	vmul.f32 v48, v34  }
0xba: {  	v7 =	vadd.f32 v46, v47;
	v11 =	vadd.f32 $0.0e+00, v48;
	v51 =	vpop (erf)  }
0xbb: {  	v4 =	vadd.f32 v4, v6;
	v53 =	vadd.f32 $0.0e+00, v50;
	v54 =	vmul.f32 v51, v23  }
0xbc: {  	v7 =	vadd.f32 v7, v9;
	v55 =	vadd.f32 v51, v11;
	v56 =	vpop (erf)  }
0xbd: {  	v3 =	vadd.f32 v3, v4;
	v57 =	vmul.f32 v56, v24;
	v8 =	vadd.f32 v54, v53  }
0xbe: {  	v7 =	vadd.f32 v12, v7;
	v59 =	vpop (erf);
	v58 =	vadd.f32 v56, v55  }
0xbf: {  	s19 =	sadd.s32 $0x1, s19;
	s31 =	sand.u32 $0x80, s20;
	v60 =	vmul.f32 v59, v61;
	v8 =	vadd.f32 v57, v8  }
0xc0: {  	p0 =	sne.s32 s19, $0x10;
	s0 =	sor.u32 s21, s31;
	[tilespmem:s20+$0xD200] =	vst v7;
	v61 =	vpop (erf);
	v6 =	vadd.f32 v59, v58  }
.Ltmp1:
0xc1: {  	[tilespmem:s0+$0xD400] =	vst v3;
	v63 =	vmul.f32 v61, v28;
	v62 =	vadd.f32 v60, v8;
	(pc) =	sbr.rel @p0 .LBB2_2-.Ltmp1, $4  }
0xc2: {  	[tilespmem:s0+$0xDC00] =	vst v5;
	v6 =	vadd.f32 v61, v6;
	v3 =	vpop (erf)  }
0xc3: {  	[tilespmem:s0+$0xDA00] =	vst v3;
	v4 =	vadd.f32 v63, v62  }
0xc4: {  	[tilespmem:s0+$0xD600] =	vst v6  }
0xc5: {  	[tilespmem:s0+$0xD800] =	vst v4  }
0xc6: {  	s0 =	simm.s32 $0x2  }
0xc7: {  	_ =	swait.ge [sflag:s0], $0x6800  }
0xc8: {  	[sflag:s0] =	ssyncset.done $0x0  }
0xc9: {  	s20 =	simm.s32 $0x0;
	[sflag:s0] =	ssyncadd.s32 $0xFFFF9800  }
.LBB2_6:
0xca: {  	s0 =	sshll.u32 s20, $0x7;
	s22 =	sshll.u32 s20, $0x4;
	s8 =	simm.s32 $0x980  }
0xcb: {  	s3 =	simm.s32 $0x280;
	s4 =	simm.s32 $0xF00;
	s5 =	simm.s32 $0x300  }
0xcc: {  	s6 =	simm.s32 $0x580;
	s1 =	simm.s32 $0x400;
	s17 =	simm.s32 $0x480  }
0xcd: {  	s7 =	simm.s32 $0xB00;
	s2 =	simm.s32 $0x0;
	s21 =	sand.u32 $0x70, s22  }
0xce: {  	s12 =	simm.s32 $0xA00;
	s13 =	simm.s32 $0x900;
	s19 =	simm.s32 $0x700;
	v8 =	vmov s21  }
0xcf: {  	s14 =	simm.s32 $0x600;
	s15 =	simm.s32 $0x380;
	s16 =	simm.s32 $0x500  }
0xd0: {  	s23 =	simm.s32 $0x500;
	s24 =	sand.u32 $0x400, s0;
	s9 =	sand.u32 $0xF800, s2  }
0xd1: {  	s11 =	sand.u32 $0x280, s17;
	s18 =	sand.u32 $0x200, s2;
	s9 =	sor.u32 s24, s9  }
0xd2: {  	s14 =	sand.u32 $0x1F800, s14;
	s7 =	sand.u32 $0x1F800, s7;
	s0 =	sadd.s32 s18, s9  }
0xd3: {  	s5 =	sand.u32 $0x300, s5;
	s15 =	sand.u32 $0x380, s15;
	s3 =	sand.u32 $0x280, s3;
	v5 =	vld.idx.msk [tilespmem:v8+s0+$0x6980 ss:$0x1], $0xffff  }
0xd4: {  	s12 =	sand.u32 $0x1F800, s12;
	s16 =	sand.u32 $0x1F800, s16;
	s6 =	sand.u32 $0x380, s6;
	v7 =	vld.idx.msk [tilespmem:v8+s0+$0x6900 ss:$0x1], $0xffff  }
0xd5: {  	s2 =	simm.s32 $0x780;
	s17 =	sand.u32 $0x1F800, s13;
	s25 =	sor.u32 $0x6800, s24  }
0xd6: {  	s1 =	sand.u32 $0x1F800, s1;
	s9 =	sand.u32 $0x1F800, s19;
	s14 =	sadd.s32 s14, s25;
	v14 =	vld.idx.msk [tilespmem:v8+s0+$0x6880 ss:$0x1], $0xffff  }
0xd7: {  	s7 =	sadd.s32 s7, s25;
	s16 =	sadd.s32 s16, s25;
	s5 =	sadd.s32 s5, s14;
	v18 =	vld.idx.msk [tilespmem:v8+s0+$0x6800 ss:$0x1], $0xffff  }
0xd8: {  	s18 =	sand.u32 $0x380, s8;
	s1 =	sadd.s32 s1, s25;
	s9 =	sadd.s32 s9, s25;
	v9 =	vld.idx.msk [tilespmem:v8+s5+$0x0 ss:$0x1], $0xffff;
	v3 =	vmul.f32 $1.442695020e+00, v5  }
0xd9: {  	s14 =	sand.u32 $0x300, s23;
	s3 =	sadd.s32 s3, s16;
	s6 =	sadd.s32 s6, s7;
	v17 =	vld.idx.msk [tilespmem:v8+s0+$0x7000 ss:$0x1], $0xffff;
	v6 =	vmul.f32 $1.442695020e+00, v7  }
0xda: {  	s16 =	simm.s32 $0x1300;
	s7 =	sadd.s32 s17, s25;
	s26 =	sadd.s32 s15, s9;
	v4 =	vld.idx.msk [tilespmem:v8+s3+$0x0 ss:$0x1], $0xffff;
	(erf) = vpow2.f32 v3  }
0xdb: {  	s23 =	simm.s32 $0xE00;
	s5 =	sadd.s32 s12, s25;
	s12 =	sand.u32 $0x1F800, s4;
	v23 =	vld.idx.msk [tilespmem:v8+s26+$0x0 ss:$0x1], $0xffff;
	(erf) = vpow2.f32 v6  }
0xdc: {  	s15 =	sand.u32 $0x380, s2;
	v19 =	vld.idx.msk [tilespmem:v8+s6+$0x0 ss:$0x1], $0xffff;
	s26 =	sadd.s32 s11, s7;
	s3 =	sadd.s32 s12, s25  }
0xdd: {  	s9 =	sand.u32 $0x1F800, s16;
	s7 =	simm.s32 $0x200;
	v13 =	vld.idx.msk [tilespmem:v8+s26+$0x0 ss:$0x1], $0xffff;
	s3 =	sadd.s32 s15, s3;
	v3 =	vmul.f32 $1.442695020e+00, v14  }
0xde: {  	s2 =	simm.s32 $0x700;
	s5 =	sadd.s32 s14, s5;
	s8 =	sand.u32 $0x200, s7;
	v11 =	vld.idx.msk [tilespmem:v8+s3+$0x0 ss:$0x1], $0xffff;
	v6 =	vmul.f32 $1.442695020e+00, v18  }
0xdf: {  	s19 =	sadd.s32 s9, s25;
	v15 =	vld.idx.msk [tilespmem:v8+s5+$0x0 ss:$0x1], $0xffff;
	s1 =	sadd.s32 s8, s1;
	s3 =	sand.u32 $0x1F800, s23;
	v10 =	vmul.f32 $1.442695020e+00, v9;
	(erf) = vpow2.f32 v3  }
0xe0: {  	s4 =	sadd.s32 s18, s19;
	s6 =	sand.u32 $0x300, s2;
	v12 =	vld.idx.msk [tilespmem:v8+s1+$0x0 ss:$0x1], $0xffff;
	s3 =	sadd.s32 s3, s25;
	(erf) = vpow2.f32 v6;
	v6 =	vmul.f32 $1.442695020e+00, v17  }
0xe1: {  	v26 =	vmul.f32 $1.442695020e+00, v4;
	s3 =	sadd.s32 s6, s3;
	v3 =	vld.idx.msk [tilespmem:v8+s4+$0x0 ss:$0x1], $0xffff;
	(erf) = vpow2.f32 v10  }
0xe2: {  	s28 =	simm.s32 $0x200;
	v20 =	vld.idx.msk [tilespmem:v8+s3+$0x0 ss:$0x1], $0xffff;
	v10 =	vmul.f32 $1.442695020e+00, v23;
	(erf) = vpow2.f32 v6  }
0xe3: {  	s29 =	simm.s32 $0x1380;
	s13 =	simm.s32 $0x1200;
	v16 =	vmul.f32 $1.442695020e+00, v19;
	v21 =	vmul.f32 $1.442695020e+00, v11;
	v6 =	vld.idx.msk [tilespmem:v8+s0+$0x7800 ss:$0x1], $0xffff;
	v24 =	vpop (erf)  }
0xe4: {  	s17 =	simm.s32 $0x1100;
	s16 =	simm.s32 $0x600;
	s9 =	simm.s32 $0xD00;
	v34 =	vmul.f32 $1.442695020e+00, v13;
	v32 =	vpop (erf);
	(erf) = vpow2.f32 v10  }
0xe5: {  	s11 =	simm.s32 $0xC00;
	s12 =	simm.s32 $0x680;
	s3 =	sand.u32 $0x1F800, s9;
	v37 =	vmul.f32 $1.442695020e+00, v15;
	(erf) = vpow2.f32 v21  }
0xe6: {  	s18 =	sand.u32 $0x1F800, s17;
	s3 =	sadd.s32 s3, s25;
	v35 =	vmul.f32 $1.442695020e+00, v12;
	s4 =	sand.u32 $0x280, s12;
	v31 =	vmul.f32 $1.442695020e+00, v3  }
0xe7: {  	v36 =	vimm.f32 $0.0e+00;
	s14 =	simm.s32 $0x900;
	s3 =	sadd.s32 s4, s3;
	s0 =	sand.u32 $0x1F800, s11;
	v25 =	vmul.f32 v24, v5;
	v10 =	vmul.f32 $1.442695020e+00, v20  }
0xe8: {  	s5 =	sand.u32 $0x200, s16;
	s1 =	sand.u32 $0x1F800, s13;
	s0 =	sadd.s32 s0, s25;
	v28 =	vadd.f32 v24, v36;
	v27 =	vmul.f32 $1.442695020e+00, v6;
	v33 =	vmul.f32 v32, v7;
	v22 =	vpop (erf);
	v7 =	vld.idx.msk [tilespmem:v8+s3+$0x0 ss:$0x1], $0xffff  }
0xe9: {  	s15 =	sand.u32 $0x300, s14;
	s1 =	sadd.s32 s1, s25;
	s0 =	sadd.s32 s5, s0;
	v5 =	vld [tilespmem:s22+$0xD100];
	v24 =	vimm.f32 $0.0e+00;
	v40 =	vadd.f32 v32, v36;
	(erf) = vpow2.f32 v16;
	v30 =	vpop (erf)  }
0xea: {  	s19 =	simm.s32 $0x880;
	s26 =	simm.s32 $0x1400;
	s1 =	sadd.s32 s15, s1;
	v32 =	vimm.f32 $0.0e+00;
	v21 =	vimm.f32 $0.0e+00;
	v16 =	vld.idx.msk [tilespmem:v8+s0+$0x0 ss:$0x1], $0xffff;
	(erf) = vpow2.f32 v10;
	v39 =	vpop (erf)  }
0xeb: {  	s30 =	sand.u32 $0x280, s19;
	s31 =	sadd.s32 s18, s25;
	s23 =	sor.u32 $0x100, s22;
	v29 =	vadd.f32 v25, v36;
	v25 =	vimm.f32 $0.0e+00;
	v10 =	vld.idx.msk [tilespmem:v8+s1+$0x0 ss:$0x1], $0xffff;
	v38 =	vmul.f32 v39, v9;
	v9 =	vpop (erf)  }
.LBB2_7:
0xec: {  	s17 =	sadd.s32 $0xFFFFF900, s29  }
0xed: {  	s11 =	sadd.s32 $0xF00, s26;
	v36 =	vadd.f32 v33, v36;
	v41 =	vmul.f32 $1.442695020e+00, v7;
	s0 =	sadd.s32 s30, s31;
	v42 =	vpop (erf);
	(erf) = vpow2.f32 v37;
	s30 =	smov.u32 s26  }
0xee: {  	s3 =	sadd.s32 $0xFFFFF880, s29;
	s4 =	sadd.s32 $0xFFFFF980, s29;
	s8 =	sadd.s32 $0xFFFFFC00, s29;
	v37 =	vadd.f32 v39, v40;
	v23 =	vmul.f32 v42, v23;
	v33 =	vld.idx.msk [tilespmem:v8+s0+$0x0 ss:$0x1], $0xffff;
	(erf) = vpow2.f32 v34;
	v34 =	vpop (erf)  }
0xef: {  	s16 =	sadd.s32 $0x400, s26;
	s5 =	sadd.s32 $0xB00, s26;
	s0 =	sadd.s32 $0xFFFFFB00, s29;
	v36 =	vadd.f32 v38, v36;
	v38 =	vmul.f32 $1.442695020e+00, v16;
	(erf) = vpow2.f32 v26  }
0xf0: {  	s6 =	sand.u32 $0xF800, s26;
	s7 =	sadd.s32 $0xA00, s26;
	s1 =	sand.u32 $0x280, s0;
	v26 =	vmul.f32 $1.442695020e+00, v10;
	(erf) = vpow2.f32 v31  }
0xf1: {  	s15 =	sadd.s32 $0x900, s26;
	s6 =	sor.u32 s24, s6;
	v39 =	vmul.f32 v30, v18;
	s0 =	sand.u32 $0x200, s28;
	(erf) = vpow2.f32 v35  }
0xf2: {  	s31 =	sadd.s32 s0, s6;
	s0 =	sand.u32 $0x200, s3;
	s3 =	sadd.s32 $0x700, s26;
	v35 =	vmul.f32 v22, v14;
	v14 =	vadd.f32 v42, v28;
	v18 =	vpop (erf);
	(erf) = vpow2.f32 v38  }
0xf3: {  	s9 =	sadd.s32 $0xFFFFFA00, s29;
	s6 =	sadd.s32 $0x600, s26;
	s3 =	sand.u32 $0x1F800, s3;
	v28 =	vadd.f32 v30, v32;
	v32 =	vmul.f32 v9, v17;
	v31 =	vld.idx.msk [tilespmem:v8+s31+$0x6980 ss:$0x1], $0xffff;
	v38 =	vpop (erf);
	(erf) = vpow2.f32 v26  }
0xf4: {  	s5 =	sand.u32 $0x1F800, s5;
	s6 =	sand.u32 $0x1F800, s6;
	s3 =	sadd.s32 s3, s25;
	v17 =	vadd.f32 v18, v14;
	v19 =	vmul.f32 v18, v19;
	v30 =	vld.idx.msk [tilespmem:v8+s31+$0x6900 ss:$0x1], $0xffff;
	(erf) = vpow2.f32 v41  }
0xf5: {  	s4 =	sand.u32 $0x300, s4;
	s9 =	sand.u32 $0x380, s9;
	s6 =	sadd.s32 s6, s25;
	v26 =	vadd.f32 v23, v29;
	v23 =	vmul.f32 $1.442695020e+00, v33;
	v14 =	vld.idx.msk [tilespmem:v8+s31+$0x6880 ss:$0x1], $0xffff;
	(erf) = vpow2.f32 v27  }
0xf6: {  	s12 =	sadd.s32 $0x500, s26;
	s4 =	sadd.s32 s4, s6;
	s6 =	sadd.s32 $0xFFFFFB80, s29;
	v29 =	vmul.f32 v38, v20;
	v20 =	vadd.f32 v34, v17;
	v27 =	vmul.f32 v34, v11;
	v18 =	vld.idx.msk [tilespmem:v8+s31+$0x6800 ss:$0x1], $0xffff;
	v11 =	vpop (erf)  }
0xf7: {  	s13 =	sand.u32 $0x280, s17;
	s7 =	sand.u32 $0x1F800, s7;
	s5 =	sadd.s32 s5, s25;
	v21 =	vadd.f32 v39, v21;
	v17 =	vld.idx.msk [tilespmem:v8+s31+$0x7000 ss:$0x1], $0xffff;
	v34 =	vadd.f32 v11, v37;
	v37 =	vpop (erf);
	(erf) = vpow2.f32 v23  }
0xf8: {  	s12 =	sand.u32 $0x1F800, s12;
	s8 =	sand.u32 $0x380, s8;
	v39 =	vadd.f32 v22, v25;
	s6 =	sand.u32 $0x300, s6;
	v11 =	vmul.f32 v11, v15;
	v22 =	vmul.f32 v37, v13;
	v40 =	vpop (erf)  }
0xf9: {  	s14 =	sand.u32 $0x1F800, s16;
	s12 =	sadd.s32 s12, s25;
	v15 =	vadd.f32 v35, v24;
	v13 =	vmul.f32 $1.442695020e+00, v31;
	v25 =	vld.idx.msk [tilespmem:v8+s4+$0x0 ss:$0x1], $0xffff;
	s4 =	sadd.s32 s7, s25;
	v24 =	vmul.f32 v40, v4;
	v4 =	vpop (erf)  }
0xfa: {  	s12 =	sadd.s32 s13, s12;
	s5 =	sadd.s32 s8, s5;
	v35 =	vmul.f32 $1.442695020e+00, v30;
	s7 =	sadd.s32 s14, s25;
	v41 =	vadd.f32 v4, v20;
	v42 =	vmul.f32 v4, v3;
	v20 =	vpop (erf)  }
0xfb: {  	s8 =	sand.u32 $0x1F800, s11;
	s3 =	sadd.s32 s9, s3;
	s9 =	sadd.s32 $0xFFFFFE00, s29;
	v36 =	vadd.f32 v11, v36;
	v4 =	vld.idx.msk [tilespmem:v8+s12+$0x0 ss:$0x1], $0xffff;
	(erf) = vpow2.f32 v13;
	v3 =	vmul.f32 v20, v12;
	v43 =	vpop (erf)  }
0xfc: {  	s8 =	sadd.s32 s8, s25;
	v38 =	vadd.f32 v38, v34;
	v23 =	vld.idx.msk [tilespmem:v8+s3+$0x0 ss:$0x1], $0xffff;
	s3 =	sand.u32 $0x380, s9;
	s9 =	sadd.s32 $0x1300, s26;
	(erf) = vpow2.f32 v35;
	v35 =	vadd.f32 v19, v26;
	v44 =	vpop (erf)  }
0xfd: {  	s11 =	sand.u32 $0x1F800, s15;
	v12 =	vmul.f32 $1.442695020e+00, v17;
	v19 =	vld.idx.msk [tilespmem:v8+s5+$0x0 ss:$0x1], $0xffff;
	s3 =	sadd.s32 s3, s8;
	s5 =	sand.u32 $0x1F800, s9;
	v3 =	vadd.f32 v3, v21;
	v34 =	vmul.f32 v44, v10;
	v45 =	vpop (erf)  }
0xfe: {  	v24 =	vadd.f32 v24, v15;
	v15 =	vmul.f32 v43, v16;
	v10 =	vmul.f32 $1.442695020e+00, v18;
	s8 =	sadd.s32 s11, s25;
	v11 =	vld.idx.msk [tilespmem:v8+s3+$0x0 ss:$0x1], $0xffff;
	s3 =	sand.u32 $0x380, s29;
	s5 =	sadd.s32 s5, s25;
	v46 =	vpop (erf)  }
0xff: {  	s4 =	sadd.s32 s6, s4;
	s6 =	sadd.s32 $0xE00, s26;
	v16 =	vmul.f32 $1.442695020e+00, v14;
	v47 =	vmul.f32 $1.442695020e+00, v25;
	s3 =	sadd.s32 s3, s5;
	v21 =	vadd.f32 v32, v3  }
0x100: {  	s1 =	sadd.s32 s1, s8;
	v48 =	vmul.f32 v45, v7;
	s5 =	sand.u32 $0x1F800, s6;
	s6 =	sadd.s32 $0xFFFFFD80, s29;
	v32 =	vadd.f32 v20, v28;
	v6 =	vmul.f32 v46, v6;
	v3 =	vld.idx.msk [tilespmem:v8+s3+$0x0 ss:$0x1], $0xffff;
	v49 =	vpop (erf)  }
0x101: {  	s0 =	sadd.s32 s0, s7;
	v26 =	vmul.f32 $1.442695020e+00, v4;
	s3 =	sadd.s32 s5, s25;
	v13 =	vld.idx.msk [tilespmem:v8+s1+$0x0 ss:$0x1], $0xffff;
	s1 =	sand.u32 $0x300, s6;
	(erf) = vpow2.f32 v16;
	v7 =	vadd.f32 v15, v21  }
0x102: {  	p0 =	sne.s32 s26, $0x5000;
	s26 =	sadd.s32 $0x1400, s26;
	v28 =	vadd.f32 v40, v39;
	v16 =	vmul.f32 $1.442695020e+00, v23;
	v40 =	vmul.f32 v49, v33;
	v15 =	vld.idx.msk [tilespmem:v8+s4+$0x0 ss:$0x1], $0xffff;
	s1 =	sadd.s32 s1, s3  }
0x103: {  	v39 =	vmul.f32 $1.442695020e+00, v19;
	s3 =	sadd.s32 $0xC00, s30;
	s4 =	sadd.s32 $0xD00, s30;
	v20 =	vld.idx.msk [tilespmem:v8+s1+$0x0 ss:$0x1], $0xffff;
	s1 =	sadd.s32 $0xFFFFFF80, s29;
	(erf) = vpow2.f32 v10;
	v21 =	vadd.f32 v6, v7  }
0x104: {  	s5 =	sadd.s32 $0xFFFFFD00, s29;
	s6 =	sadd.s32 $0x1200, s30;
	s4 =	sand.u32 $0x1F800, s4;
	v10 =	vmul.f32 $1.442695020e+00, v11;
	v6 =	vpop (erf);
	(erf) = vpow2.f32 v47;
	v47 =	vadd.f32 v37, v28  }
0x105: {  	s5 =	sand.u32 $0x280, s5;
	s6 =	sand.u32 $0x1F800, s6;
	s4 =	sadd.s32 s4, s25;
	v28 =	vadd.f32 v6, v41;
	v41 =	vmul.f32 v6, v31;
	v6 =	vld.idx.msk [tilespmem:v8+s31+$0x7800 ss:$0x1], $0xffff;
	v50 =	vpop (erf);
	(erf) = vpow2.f32 v12  }
0x106: {  	s1 =	sand.u32 $0x300, s1;
	v33 =	vmul.f32 v50, v30;
	v12 =	vld.idx.msk [tilespmem:v8+s0+$0x0 ss:$0x1], $0xffff;
	s0 =	sadd.s32 s5, s4;
	s4 =	sadd.s32 s6, s25;
	(erf) = vpow2.f32 v16;
	v16 =	vadd.f32 v29, v36  }
0x107: {  	v27 =	vadd.f32 v27, v35;
	v9 =	vadd.f32 v9, v32;
	s3 =	sand.u32 $0x1F800, s3;
	s5 =	sadd.s32 $0xFFFFFC80, s29;
	v7 =	vld.idx.msk [tilespmem:v8+s0+$0x0 ss:$0x1], $0xffff;
	s0 =	sadd.s32 s1, s4;
	(erf) = vpow2.f32 v10  }
0x108: {  	v24 =	vadd.f32 v22, v24;
	s3 =	sadd.s32 s3, s25;
	v31 =	vmul.f32 $1.442695020e+00, v3;
	s1 =	sand.u32 $0x200, s5;
	v10 =	vld.idx.msk [tilespmem:v8+s0+$0x0 ss:$0x1], $0xffff;
	v36 =	vadd.f32 v34, v16  }
0x109: {  	v9 =	vadd.f32 v43, v9;
	v29 =	vadd.f32 v42, v27;
	v34 =	vmul.f32 $1.442695020e+00, v13;
	s0 =	sadd.s32 s1, s3  }
.Ltmp2:
0x10a: {  	v24 =	vadd.f32 v48, v24;
	v37 =	vmul.f32 $1.442695020e+00, v15;
	v35 =	vmul.f32 $1.442695020e+00, v20;
	v16 =	vld.idx.msk [tilespmem:v8+s0+$0x0 ss:$0x1], $0xffff;
	v22 =	vpop (erf);
	(pc) =	sbr.rel @p0 .LBB2_7-.Ltmp2, $4  }
0x10b: {  	v43 =	vadd.f32 v44, v38;
	v32 =	vadd.f32 v46, v9;
	(erf) = vpow2.f32 v39  }
0x10c: {  	v42 =	vadd.f32 v45, v47;
	v27 =	vmul.f32 $1.442695020e+00, v6;
	s0 =	sadd.s32 $0x1100, s30;
	v30 =	vpop (erf);
	(erf) = vpow2.f32 v35  }
0x10d: {  	s28 =	sadd.s32 $0x200, s28;
	v24 =	vadd.f32 v40, v24;
	v29 =	vadd.f32 v41, v29;
	s1 =	sadd.s32 $0xFFFFFF00, s29;
	s0 =	sand.u32 $0x1F800, s0;
	v35 =	vmul.f32 $1.442695020e+00, v12;
	v39 =	vpop (erf)  }
0x10e: {  	v40 =	vadd.f32 v50, v43;
	s29 =	sadd.s32 $0xA00, s29;
	s30 =	sand.u32 $0x280, s1;
	s31 =	sadd.s32 s0, s25;
	v38 =	vmul.f32 v39, v25;
	v9 =	vpop (erf);
	v25 =	vadd.f32 v49, v42  }
0x10f: {  	(v2sf) =	vpush v5, $0xD;
	_ =	sdelay $0x1  }
0x110: {  	(v2sf) =	vpush v5, $0xC;
	_ =	sdelay $0x1  }
0x111: {  	(v2sf) =	vpush v5, $0xE;
	_ =	sdelay $0x1  }
0x112: {  	(v2sf) =	vpush v5, $0xF;
	_ =	sdelay $0x1  }
0x113: {  	(v2sf) =	vpush v5, $0x9;
	_ =	sdelay $0x1  }
0x114: {  	(v2sf) =	vpush v5, $0x8;
	_ =	sdelay $0x1  }
0x115: {  	(v2sf) =	vpush v5, $0xA;
	_ =	sdelay $0x1  }
0x116: {  	(v2sf) =	vpush v5, $0xB  }
0x117: {  	(v2sf) =	vpush v5, $0x0;
	s0 =	spop (v2sf)  }
0x118: {  	s4 =	smulhi.u32 $0x66666667, s0;
	s0 =	sshra.s32 s0, $0x1F  }
0x119: {  	(v2sf) =	vpush v5, $0x1;
	s1 =	spop (v2sf);
	s0 =	smul.u32 $0x66666667, s0  }
0x11a: {  	s7 =	smulhi.u32 $0x66666667, s1;
	s1 =	sshra.s32 s1, $0x1F  }
0x11b: {  	(v2sf) =	vpush v5, $0x2;
	s3 =	spop (v2sf);
	s1 =	smul.u32 $0x66666667, s1  }
0x11c: {  	(v2sf) =	vpush v5, $0x3;
	s12 =	smulhi.u32 $0x66666667, s3;
	s3 =	sshra.s32 s3, $0x1F  }
0x11d: {  	(v2sf) =	vpush v5, $0x4;
	s5 =	spop (v2sf);
	s3 =	smul.u32 $0x66666667, s3  }
0x11e: {  	(v2sf) =	vpush v5, $0x5;
	s17 =	smulhi.u32 $0x66666667, s5;
	s5 =	sshra.s32 s5, $0x1F  }
0x11f: {  	(v2sf) =	vpush v5, $0x6;
	s6 =	spop (v2sf);
	s5 =	smul.u32 $0x66666667, s5  }
0x120: {  	(v2sf) =	vpush v5, $0x7;
	s28 =	smulhi.u32 $0x66666667, s6;
	s6 =	sshra.s32 s6, $0x1F  }
0x121: {  	s26 =	sadd.s32 s0, s4;
	s9 =	spop (v2sf);
	s6 =	smul.u32 $0x66666667, s6  }
0x122: {  	s0 =	sadd.s32 s1, s7;
	s2 =	smulhi.u32 $0x66666667, s9;
	s9 =	sshra.s32 s9, $0x1F  }
0x123: {  	s11 =	spop (v2sf);
	s25 =	sadd.s32 s3, s12;
	s9 =	smul.u32 $0x66666667, s9  }
0x124: {  	s12 =	sshrl.u32 s26, $0x1F;
	s4 =	smulhi.u32 $0x66666667, s11;
	s11 =	sshra.s32 s11, $0x1F  }
0x125: {  	s13 =	spop (v2sf);
	s24 =	sadd.s32 s5, s17;
	s7 =	smul.u32 $0x66666667, s11  }
0x126: {  	s14 =	spop (v2sf);
	s3 =	smulhi.u32 $0x66666667, s13;
	s13 =	sshra.s32 s13, $0x1F  }
0x127: {  	s1 =	sadd.s32 s6, s28;
	s28 =	sshrl.u32 s0, $0x1F;
	s5 =	smul.u32 $0x66666667, s13  }
0x128: {  	s18 =	spop (v2sf);
	s6 =	smulhi.u32 $0x66666667, s14;
	s17 =	sshra.s32 s14, $0x1F  }
0x129: {  	s11 =	sadd.s32 s9, s2;
	s13 =	sshrl.u32 s24, $0x1F;
	s14 =	smul.u32 $0x66666667, s17  }
0x12a: {  	v36 =	vadd.f32 v33, v36;
	(erf) = vpow2.f32 v37;
	v62 =	vmul.f32 $1.442695020e+00, v7;
	s29 =	spop (v2sf);
	s17 =	sshrl.u32 s25, $0x1F;
	s2 =	smulhi.u32 $0x66666667, s18  }
0x12b: {  	v43 =	vmul.f32 $1.442695020e+00, v16;
	v45 =	vmul.f32 $1.442695020e+00, v10;
	v41 =	vmov s28;
	s28 =	sshra.s32 s18, $0x1F;
	s18 =	sshrl.u32 s11, $0x1F;
	s19 =	spop (v2sf)  }
0x12c: {  	v46 =	vmul.f32 v30, v18;
	v48 =	vmul.f32 v22, v14;
	v14 =	vadd.f32 v30, v32;
	s9 =	smul.u32 $0x66666667, s28;
	s28 =	sadd.s32 s7, s4;
	s8 =	spop (v2sf)  }
0x12d: {  	v61 =	vpop (erf);
	v17 =	vmul.f32 v9, v17;
	v33 =	vadd.f32 v39, v40;
	v41 =	vsel vm0, s12, v41;
	s4 =	smulhi.u32 $0x66666667, s29;
	s29 =	sshra.s32 s29, $0x1F;
	s16 =	spop (v2sf)  }
0x12e: {  	v63 =	vmul.f32 v61, v23;
	(erf) = vpow2.f32 v34;
	v41 =	vsel vm1, s17, v41;
	s17 =	sshrl.u32 s1, $0x1F;
	s7 =	smul.u32 $0x66666667, s29;
	s15 =	spop (v2sf)  }
0x12f: {  	v28 =	vadd.f32 v61, v28;
	v22 =	vadd.f32 v22, v25;
	v40 =	vmov s22;
	s6 =	sadd.s32 s14, s6;
	s12 =	smulhi.u32 $0x66666667, s19;
	s29 =	spop (v2sf)  }
0x130: {  	v50 =	vpop (erf);
	v23 =	vadd.f32 v38, v36;
	(erf) = vpow2.f32 v26;
	v42 =	vmov s18;
	s2 =	sadd.s32 s9, s2;
	s9 =	smulhi.u32 $0x66666667, s29;
	s14 =	sshra.s32 s29, $0x1F  }
0x131: {  	v11 =	vmul.f32 v50, v11;
	(erf) = vpow2.f32 v31;
	s18 =	sshrl.u32 s28, $0x1F;
	v42 =	vsel vm0, s17, v42;
	s17 =	sshrl.u32 s6, $0x1F;
	s14 =	smul.u32 $0x66666667, s14  }
0x132: {  	v21 =	vadd.f32 v46, v21;
	(erf) = vpow2.f32 v35;
	v42 =	vsel vm1, s18, v42;
	s18 =	sadd.s32 s30, s31;
	s31 =	smulhi.u32 $0x66666667, s8;
	s29 =	sshra.s32 s19, $0x1F  }
0x133: {  	v24 =	vadd.f32 v48, v24;
	(erf) = vpow2.f32 v43;
	s8 =	sshra.s32 s8, $0x1F;
	v44 =	vmov s17;
	s17 =	smul.u32 $0x66666667, s29;
	s29 =	sadd.s32 s14, s9  }
0x134: {  	v29 =	vadd.f32 v63, v29;
	v52 =	vpop (erf);
	(erf) = vpow2.f32 v45;
	s0 =	sshra.s32 s0, $0x1;
	v41 =	vsel vm2, s13, v41;
	s13 =	smul.u32 $0x66666667, s8;
	s14 =	sshra.s32 s29, $0x1F  }
0x135: {  	v28 =	vadd.f32 v52, v28;
	(erf) = vpow2.f32 v62;
	s4 =	sadd.s32 s7, s4;
	s7 =	sadd.s32 s17, s12;
	s17 =	sshra.s32 s6, $0x1;
	v49 =	vmov s14  }
0x136: {  	v19 =	vmul.f32 v52, v19;
	v55 =	vpop (erf);
	(erf) = vpow2.f32 v27;
	s30 =	sadd.s32 s5, s3;
	s3 =	sadd.s32 s13, s31;
	s6 =	sshra.s32 s6, $0x1F;
	v51 =	vsel vm3, s17, v49  }
0x137: {  	v28 =	vadd.f32 v50, v28;
	v26 =	vnsel vm3, $0x0, v44;
	s31 =	smulhi.u32 $0x66666667, s16;
	s19 =	sshrl.u32 s2, $0x1F;
	s12 =	sshra.s32 s2, $0x1;
	v30 =	vsel vm9, s6, v51  }
0x138: {  	v19 =	vadd.f32 v19, v29;
	v62 =	vpop (erf);
	v47 =	vsel vm0, s19, v26;
	s19 =	sshrl.u32 s4, $0x1F;
	s9 =	sshra.s32 s16, $0x1F;
	s2 =	sshra.s32 s2, $0x1F;
	v30 =	vsel vm0, s12, v30  }
0x139: {  	v63 =	vadd.f32 v62, v33;
	v33 =	vpop (erf);
	v18 =	vsel vm1, s19, v47;
	s16 =	sshra.s32 s4, $0x1;
	s13 =	sshrl.u32 s7, $0x1F;
	s8 =	smul.u32 $0x66666667, s9;
	v54 =	vsel vm10, s2, v30  }
0x13a: {  	v15 =	vmul.f32 v62, v15;
	v25 =	vpop (erf);
	s4 =	sshra.s32 s4, $0x1F;
	v53 =	vsel vm2, s13, v18;
	s14 =	smulhi.u32 $0x66666667, s15;
	s15 =	sshra.s32 s15, $0x1F;
	v18 =	vsel vm1, s16, v54  }
0x13b: {  	v13 =	vmul.f32 v33, v13;
	v4 =	vmul.f32 v25, v4;
	v8 =	vld.idx.msk [tilespmem:v8+s18+$0x0 ss:$0x1], $0xffff;
	s18 =	sshrl.u32 s3, $0x1F;
	s19 =	sshra.s32 s7, $0x1;
	s9 =	smul.u32 $0x66666667, s15;
	v57 =	vsel vm11, s4, v18  }
0x13c: {  	v60 =	vmov s0;
	s7 =	sshra.s32 s7, $0x1F;
	s13 =	sshra.s32 s26, $0x1;
	s17 =	sshrl.u32 s30, $0x1F;
	v58 =	vsel vm4, s18, v53;
	v27 =	vsel vm2, s19, v57  }
0x13d: {  	v34 =	vsel vm0, s13, v60;
	v59 =	vsel vm2, s17, v42;
	s6 =	sadd.s32 s9, s14;
	s9 =	sshra.s32 s3, $0x1;
	s12 =	sshra.s32 s11, $0x1;
	v27 =	vsel vm12, s7, v27  }
0x13e: {  	s5 =	sadd.s32 s8, s31;
	v32 =	vcombine.low v59, v41;
	s3 =	sshra.s32 s3, $0x1F;
	s14 =	sshra.s32 s1, $0x1;
	v61 =	vmov s12;
	v27 =	vsel vm4, s9, v27  }
0x13f: {  	s31 =	sshrl.u32 s5, $0x1F;
	s15 =	sshra.s32 s5, $0x1;
	s16 =	sshra.s32 s25, $0x1;
	v36 =	vsel vm0, s14, v61;
	v18 =	vmul.f32 v55, v20;
	v27 =	vsel vm13, s3, v27  }
0x140: {  	s17 =	sshra.s32 s28, $0x1;
	s18 =	sshra.s32 s5, $0x1F;
	s8 =	sshrl.u32 s6, $0x1F;
	v20 =	vsel vm5, s31, v58;
	v34 =	vsel vm1, s16, v34;
	v27 =	vsel vm5, s15, v27  }
0x141: {  	s25 =	sshra.s32 s6, $0x1;
	v36 =	vsel vm1, s17, v36;
	v20 =	vsel vm6, s8, v20;
	s19 =	sshra.s32 s24, $0x1;
	s24 =	sshra.s32 s30, $0x1;
	v27 =	vsel vm14, s18, v27  }
0x142: {  	s26 =	sshrl.u32 s29, $0x1F;
	s28 =	sshra.s32 s6, $0x1F;
	v34 =	vsel vm2, s19, v34;
	v36 =	vsel vm2, s24, v36;
	v27 =	vsel vm6, s25, v27  }
0x143: {  	s30 =	sshra.s32 s29, $0x1;
	v20 =	vsel vm7, s26, v20;
	v34 =	vcombine.low v36, v34;
	v27 =	vsel vm15, s28, v27  }
0x144: {  	v32 =	vperm.xlane v32, v1;
	v20 =	vperm.xlane v20, v2;
	v27 =	vsel vm7, s30, v27  }
0x145: {  	v11 =	vadd.f32 v11, v19;
	v26 =	vpop (erf);
	v34 =	vperm.xlane v34, v1;
	v27 =	vperm.xlane v27, v2  }
0x146: {  	v15 =	vadd.f32 v15, v23;
	v4 =	vadd.f32 v4, v24;
	v56 =	vmul.f32 $1.442695020e+00, v8;
	v52 =	vpop (erf)  }
0x147: {  	v12 =	vmul.f32 v52, v12;
	v20 =	vsel vm8, v20, v32;
	v27 =	vsel vm8, v27, v34  }
0x148: {  	(erf) = vpow2.f32 v56;
	v56 =	vshll.u32 v5, $0x7;
	v20 =	vadd.s32 v20, v27  }
0x149: {  	v53 =	vadd.f32 v55, v63;
	v41 =	vor.u32 s22, v0;
	v20 =	vmul.u32 $0x5, v20  }
0x14a: {  	v32 =	vand.u32 $0x7F, v41;
	v27 =	vadd.f32 v26, v28;
	v28 =	vshll.u32 v40, $0x3  }
0x14b: {  	v28 =	vand.u32 $0x400, v28;
	v42 =	vshll.u32 v20, $0x8;
	v43 =	vshll.u32 v20, $0x7  }
0x14c: {  	v44 =	vadd.s32 $0x1, v20;
	v46 =	vadd.s32 $0x2, v20;
	v49 =	vadd.s32 $0x3, v20  }
0x14d: {  	v20 =	vadd.s32 $0x4, v20;
	v34 =	vand.u32 $0xFFFFF800, v42;
	v35 =	vand.u32 $0x380, v43  }
0x14e: {  	v45 =	vshll.u32 v44, $0x8;
	v47 =	vshll.u32 v46, $0x8;
	v37 =	vshll.u32 v46, $0x7  }
0x14f: {  	v50 =	vshll.u32 v49, $0x8;
	v34 =	vor.u32 v34, v35;
	v35 =	vshll.u32 v44, $0x7  }
0x150: {  	v36 =	vand.u32 $0xFFFFF800, v45;
	v34 =	vor.u32 v28, v34;
	v35 =	vand.u32 $0x380, v35  }
0x151: {  	v51 =	vshll.u32 v20, $0x8;
	v35 =	vor.u32 v36, v35;
	v34 =	vor.u32 v32, v34  }
0x152: {  	v48 =	vand.u32 $0xFFFFF800, v47;
	v37 =	vand.u32 $0x380, v37;
	v35 =	vor.u32 v28, v35  }
0x153: {  	v36 =	vor.u32 v48, v37;
	v37 =	vshll.u32 v49, $0x7;
	v35 =	vor.u32 v32, v35  }
0x154: {  	v38 =	vand.u32 $0xFFFFF800, v50;
	v36 =	vor.u32 v28, v36;
	v37 =	vand.u32 $0x380, v37  }
0x155: {  	v20 =	vshll.u32 v20, $0x7;
	v36 =	vor.u32 v32, v36;
	v37 =	vor.u32 v38, v37  }
0x156: {  	v20 =	vand.u32 $0x380, v20;
	v38 =	vand.u32 $0xFFFFF800, v51;
	v37 =	vor.u32 v28, v37;
	v34 =	vld.idx.msk [tilespmem:v34+s10+$0x0], $0xffff  }
0x157: {  	v55 =	vshll.u32 v5, $0x8;
	v20 =	vor.u32 v38, v20;
	v37 =	vor.u32 v32, v37  }
0x158: {  	v5 =	vand.u32 $0x380, v56;
	v30 =	vand.u32 $0xFFFFF800, v55;
	v20 =	vor.u32 v28, v20;
	v23 =	vld.idx.msk [tilespmem:v35+s10+$0x0], $0xffff  }
0x159: {  	v4 =	vadd.f32 v13, v4;
	v5 =	vor.u32 v30, v5;
	v20 =	vor.u32 v32, v20  }
0x15a: {  	v3 =	vmul.f32 v26, v3;
	v12 =	vadd.f32 v12, v21;
	v54 =	vpop (erf);
	v5 =	vor.u32 v28, v5;
	v24 =	vld.idx.msk [tilespmem:v36+s10+$0x0], $0xffff  }
0x15b: {  	v14 =	vadd.f32 v52, v14;
	v57 =	vpop (erf);
	v5 =	vor.u32 v32, v5;
	v58 =	vmul.f32 $1.442695020e+00, v34  }
0x15c: {  	v3 =	vadd.f32 v3, v11;
	v12 =	vadd.f32 v17, v12;
	v60 =	vmul.f32 v54, v16;
	v59 =	vpop (erf);
	v61 =	vld.idx.msk [tilespmem:v37+s10+$0x0], $0xffff  }
0x15d: {  	v15 =	vadd.f32 v18, v15;
	v62 =	vpop (erf);
	(erf) = vpow2.f32 v58;
	v63 =	vmul.f32 $1.442695020e+00, v23  }
0x15e: {  	v12 =	vadd.f32 v60, v12;
	v6 =	vmul.f32 v62, v6;
	v42 =	vmul.f32 v57, v10;
	v28 =	vld.idx.msk [tilespmem:v20+s10+$0x0], $0xffff  }
0x15f: {  	v43 =	vadd.f32 v9, v14;
	v38 =	vmul.f32 $1.442695020e+00, v24;
	(erf) = vpow2.f32 v63  }
0x160: {  	v6 =	vadd.f32 v6, v12;
	v45 =	vmul.f32 v59, v7;
	v10 =	vadd.f32 v42, v15;
	v5 =	vld.idx.msk [tilespmem:v5+s10+$0x0], $0xffff  }
0x161: {  	v9 =	vadd.f32 v54, v43;
	v41 =	vmul.f32 $1.442695020e+00, v61;
	(erf) = vpow2.f32 v38  }
0x162: {  	v4 =	vadd.f32 v45, v4;
	v37 =	vadd.f32 v25, v22  }
0x163: {  	v46 =	vpop (erf);
	v49 =	vadd.f32 v57, v53;
	v44 =	vmul.f32 $1.442695020e+00, v28;
	(erf) = vpow2.f32 v41  }
0x164: {  	v8 =	vmul.f32 v46, v8;
	v9 =	vadd.f32 v62, v9;
	v40 =	vadd.f32 v33, v37  }
0x165: {  	v3 =	vadd.f32 v3, v10;
	v52 =	vmul.f32 $1.442695020e+00, v5;
	(erf) = vpow2.f32 v44  }
0x166: {  	v4 =	vadd.f32 v8, v4;
	v47 =	vadd.f32 v59, v40;
	v48 =	vpop (erf)  }
0x167: {  	v12 =	vadd.f32 v27, v49;
	(erf) = vpow2.f32 v52;
	v50 =	vmul.f32 v48, v34  }
0x168: {  	v7 =	vadd.f32 v46, v47;
	v11 =	vadd.f32 $0.0e+00, v48;
	v51 =	vpop (erf)  }
0x169: {  	v4 =	vadd.f32 v4, v6;
	v53 =	vadd.f32 $0.0e+00, v50;
	v54 =	vmul.f32 v51, v23  }
0x16a: {  	v7 =	vadd.f32 v7, v9;
	v55 =	vadd.f32 v51, v11;
	v56 =	vpop (erf)  }
0x16b: {  	v3 =	vadd.f32 v3, v4;
	v57 =	vmul.f32 v56, v24;
	v8 =	vadd.f32 v54, v53  }
0x16c: {  	v7 =	vadd.f32 v12, v7;
	v59 =	vpop (erf);
	v58 =	vadd.f32 v56, v55  }
0x16d: {  	s20 =	sadd.s32 $0x1, s20;
	s31 =	sand.u32 $0x80, s22;
	v60 =	vmul.f32 v59, v61;
	v8 =	vadd.f32 v57, v8  }
0x16e: {  	p0 =	sne.s32 s20, $0x10;
	s0 =	sor.u32 s21, s31;
	[tilespmem:s23+$0xD200] =	vst v7;
	v61 =	vpop (erf);
	v6 =	vadd.f32 v59, v58  }
.Ltmp3:
0x16f: {  	[tilespmem:s0+$0xD500] =	vst v3;
	v63 =	vmul.f32 v61, v28;
	v62 =	vadd.f32 v60, v8;
	(pc) =	sbr.rel @p0 .LBB2_6-.Ltmp3, $4  }
0x170: {  	[tilespmem:s0+$0xDD00] =	vst v5;
	v6 =	vadd.f32 v61, v6;
	v3 =	vpop (erf)  }
0x171: {  	[tilespmem:s0+$0xDB00] =	vst v3;
	v4 =	vadd.f32 v63, v62  }
0x172: {  	[tilespmem:s0+$0xD700] =	vst v6  }
0x173: {  	[tilespmem:s0+$0xD900] =	vst v4  }
0x174: {  	s0 =	rddreg [dreg:$0x7];
	s1 =	simm.s32 $0x80  }
0x175: {  	s2 =	simm.s32 $0x400;
	s3 =	simm.s32 $0xD200;
	s4 =	simm.s32 $0x3  }
0x176: {  	[hbm4b:s0+s1] =	stream.strided.scatter [tilespmem:s3], [sflag:$0x3], $0xC00, s2, s1, $0x38;
	[tilespmem:$0xDE00] =	vst v63  }
0x177: {  	_ =	swait.ge [sflag:s4], $0xC00  }
0x178: {  	s30 =	rddreg [dreg:$0x9]  }
0x179: {  	s31 =	rddreg [dreg:$0x8];
	s1 =	sadd.s32 $0x1, s30  }
0x17a: {  	p0 =	sne.s32 s1, s31  }
.Ltmp4:
0x17b: {  	_ = 	snop;
	(pc) =	sbr.rel @p0 .LBB2_1-.Ltmp4, $3  }
0x17c: {  	_ =	sdelay $0x1  }
0x17d: {  	[sflag:s4] =	ssyncset.done $0x0  }
0x17e: {  	s2 =	simm.s32 $0x0;
	[sflag:s4] =	ssyncadd.s32 $0xFFFFF400  }
0x17f: {  	_ =	sfence.sel $0x180000  }
0x180: {  	[bflag:$0x0] =	sbarrier.arrive $0xFFFF  }
0x181: {  	_ =	strace $0x90000047  }
0x182: {  	s0 =	stileid.u32;
	[bflag:$0x2] =	sbarrier.arrive $0xFFFF  }
0x183: {  	p0 =	sne.s32 s0, $0x0;
	s0 =	rddreg [dreg:$0x3]  }
0x184: {  	s0 =	sadd.s32 @!p0 $0x100000, s0  }
0x185: {  	[sflag:s0] =	ssyncadd.tile.s32 @!p0 $0x1;
	_ =	shalt  }
.Lfunc_end2:
_tile_overlayer_lowered:
.L_overlay_start_2:
0x186: {  	(tag) =	ssettag $0x2  }
0x187: {  	s0 =	rddreg [dreg:$0x0];
	s2 =	stileid.u32  }
0x188: {  	s1 =	rddreg [dreg:$0x1];
	p0 =	sne.s32 s2, $0x0  }
0x189: {  	s3 =	rddreg [dreg:$0x2];
	[bflag:$0x3] =	sbarrier.arrive $0xFFFF;
	s2 =	simm.s32 @!p0 $0x1C03  }
0x18a: {  	[timem:s3], [sflag:s2] =	dma.local @!p0 [hbm:s0], s1  }
0x18b: {  	s0 =	simm.s32 @!p0 $0x3  }
0x18c: {  	_ =	swait.ge @!p0 [sflag:s0], s1  }
0x18d: {  	s1 =	ssub.s32 @!p0 $0x0, s1;
	[sflag:s0] =	ssyncset.done @!p0 $0x0  }
0x18e: {  	[sflag:s0] =	ssyncadd.s32 @!p0 s1  }
0x18f: {  	[bflag:$0x3] =	sbarrier.arrive $0xFFFF  }
0x190: {  	_ =	shalt  }

</sc_bundles>
